<compile_context>
chip_gen: v7x
topology: tpu7x:2x2x1
jax: 0.10.2.dev20260603
libtpu: 0.0.44.dev20260713+nightly
codegen_flags: <defaults>
</compile_context>

<pallas_src>
import jax
import jax.numpy as jnp
from jax import lax
from jax.experimental import pallas as pl
from jax.experimental.pallas import tpu as pltpu
from jax.experimental.pallas import tpu_sc as plsc

_NC = 2
_NS = 16
_NW = _NC * _NS
_B = 16384
_CH = 128
_NROWS = _B // _CH
_RPW = _NROWS // _NW
_DIM = 10
_PAD = 16
_N_TBL = 100000
_PBLK = 10000


def _sc_gather_body(u_hbm, v_hbm, users_hbm, items_hbm,
                    pu_out, pv_out,
                    idx_u, idx_v, rows_u, rows_v, sem):
    wid = lax.axis_index("s") * _NC + lax.axis_index("c")
    base = wid * _RPW
    pltpu.sync_copy(u_hbm.at[pl.ds(base, _RPW)], idx_u)
    pltpu.sync_copy(v_hbm.at[pl.ds(base, _RPW)], idx_v)
    copies = []
    for j in range(_RPW):
        copies.append(pltpu.async_copy(users_hbm.at[idx_u.at[j]], rows_u.at[j], sem))
        copies.append(pltpu.async_copy(items_hbm.at[idx_v.at[j]], rows_v.at[j], sem))
    for cp in copies:
        cp.wait()
    for j in range(_RPW):
        pltpu.sync_copy(rows_u.at[j], pu_out.at[pl.ds((base + j) * _CH, _CH)])
        pltpu.sync_copy(rows_v.at[j], pv_out.at[pl.ds((base + j) * _CH, _CH)])


def _sc_gather(u2, v2, users16, items16):
    gather = pl.kernel(
        _sc_gather_body,
        out_type=(
            jax.ShapeDtypeStruct((_B, _PAD), jnp.float32),
            jax.ShapeDtypeStruct((_B, _PAD), jnp.float32),
        ),
        mesh=plsc.VectorSubcoreMesh(core_axis_name="c", subcore_axis_name="s",
                                    num_cores=_NC, num_subcores=_NS),
        scratch_types=[
            pltpu.VMEM((_RPW, _CH), jnp.int32),
            pltpu.VMEM((_RPW, _CH), jnp.int32),
            pltpu.VMEM((_RPW, _CH, _PAD), jnp.float32),
            pltpu.VMEM((_RPW, _CH, _PAD), jnp.float32),
            pltpu.SemaphoreType.DMA,
        ],
        compiler_params=pltpu.CompilerParams(use_tc_tiling_on_sc=False),
    )
    return gather(u2, v2, users16, items16)


_BLK = 4096


def _tc_dense_body(pu_ref, pv_ref,
                   w1_ref, b1_ref, w2_ref, b2_ref, w4_ref, b4_ref, out_ref):
    pu = pu_ref[:, :_DIM]
    pv = pv_ref[:, :_DIM]
    bu = pu_ref[:, _DIM:_DIM + 1]
    bv = pv_ref[:, _DIM:_DIM + 1]
    nu = jnp.sqrt(jnp.sum(pu * pu, axis=1, keepdims=True))
    nv = jnp.sqrt(jnp.sum(pv * pv, axis=1, keepdims=True))
    su = jnp.minimum(1.0, 1.0 / jnp.maximum(nu, 1e-7))
    sv = jnp.minimum(1.0, 1.0 / jnp.maximum(nv, 1e-7))
    x = (pu * su) * (pv * sv)
    h = jnp.dot(x, w1_ref[...], preferred_element_type=jnp.float32) + b1_ref[...]
    h = jnp.dot(h, w2_ref[...], preferred_element_type=jnp.float32) + b2_ref[...]
    h = jax.nn.sigmoid(h)
    o = jnp.dot(h, w4_ref[...], preferred_element_type=jnp.float32)
    out_ref[...] = o + b4_ref[0, 0] + bu + bv


def _tc_dense(pu, pv, W1, b1, W2, b2, W4, b4):
    grid = (_B // _BLK,)
    return pl.pallas_call(
        _tc_dense_body,
        grid=grid,
        in_specs=[
            pl.BlockSpec((_BLK, _PAD), lambda i: (i, 0)),
            pl.BlockSpec((_BLK, _PAD), lambda i: (i, 0)),
            pl.BlockSpec((_DIM, 128), lambda i: (0, 0)),
            pl.BlockSpec((128,), lambda i: (0,)),
            pl.BlockSpec((128, 64), lambda i: (0, 0)),
            pl.BlockSpec((64,), lambda i: (0,)),
            pl.BlockSpec((64, 1), lambda i: (0, 0)),
            pl.BlockSpec((1, 1), lambda i: (0, 0)),
        ],
        out_specs=pl.BlockSpec((_BLK, 1), lambda i: (i, 0)),
        out_shape=jax.ShapeDtypeStruct((_B, 1), jnp.float32),
    )(pu, pv, W1, b1, W2, b2, W4, b4)


def kernel(u, v, users, items, u_bias, i_bias, W1, b1, W2, b2, W4, b4):
    n_u = users.shape[0]
    n_i = items.shape[0]
    zu = jnp.zeros((n_u, _PAD - _DIM - 1), jnp.float32)
    zi = jnp.zeros((n_i, _PAD - _DIM - 1), jnp.float32)
    users16 = jnp.concatenate([users, u_bias, zu], axis=1)
    items16 = jnp.concatenate([items, i_bias, zi], axis=1)
    u2 = u.astype(jnp.int32).reshape(_NROWS, _CH)
    v2 = v.astype(jnp.int32).reshape(_NROWS, _CH)
    pu, pv = _sc_gather(u2, v2, users16, items16)
    out = _tc_dense(pu, pv, W1, b1, W2, b2, W4, b4.reshape(1, 1))
    return out.reshape(_B)

# --- scband reference (transcript-rebuilt; emitter-appended) ---
"""Pipeline reference for scband-lfm-68513318305794 (READ-ONLY COPY).

The authoritative reference and input builder live on the scoring server;
editing this copy changes nothing except your own understanding.
"""

import jax, jax.numpy as jnp
import numpy as np

N_USERS = 100000
N_ITEMS = 100000
DIM = 10
BATCH = 16384


def setup_inputs(seed: int = 0) -> dict:
    key = jax.random.key(seed)
    ks = jax.random.split(key, 12)
    u = jax.random.randint(ks[0], (BATCH,), 0, N_USERS, dtype=jnp.int64 if jax.config.jax_enable_x64 else jnp.int32)
    v = jax.random.randint(ks[1], (BATCH,), 0, N_ITEMS, dtype=jnp.int64 if jax.config.jax_enable_x64 else jnp.int32)
    users = jax.random.normal(ks[2], (N_USERS, DIM), dtype=jnp.float32)  # nn.init.normal_(0,1)
    items = jax.random.normal(ks[3], (N_ITEMS, DIM), dtype=jnp.float32)
    # xavier_normal_ for bias embeddings [n,1]: std = sqrt(2/(n+1))
    u_bias = jax.random.normal(ks[4], (N_USERS, 1), dtype=jnp.float32) * np.sqrt(2.0 / (N_USERS + 1))
    i_bias = jax.random.normal(ks[5], (N_ITEMS, 1), dtype=jnp.float32) * np.sqrt(2.0 / (N_ITEMS + 1))
    # Linear layers (stored as [in, out]); kaiming-uniform-ish init like torch default
    def lin(k, fan_in, fan_out):
        bound = 1.0 / np.sqrt(fan_in)
        kw, kb = jax.random.split(k)
        W = jax.random.uniform(kw, (fan_in, fan_out), minval=-bound, maxval=bound, dtype=jnp.float32)
        b = jax.random.uniform(kb, (fan_out,), minval=-bound, maxval=bound, dtype=jnp.float32)
        return W, b
    W1, b1 = lin(ks[6], 10, 128)
    W2, b2 = lin(ks[7], 128, 64)
    W4, b4 = lin(ks[8], 64, 1)
    return {"u": u, "v": v, "users": users, "items": items, "u_bias": u_bias,
            "i_bias": i_bias, "W1": W1, "b1": b1, "W2": W2, "b2": b2, "W4": W4, "b4": b4}


def _renorm(e, max_norm=1.0, eps=1e-7):
    # torch nn.Embedding(max_norm=1) renormalizes looked-up rows to norm <= 1
    n = jnp.linalg.norm(e, axis=-1, keepdims=True)
    scale = jnp.minimum(1.0, max_norm / jnp.maximum(n, eps))
    return e * scale


def reference(u, v, users, items, u_bias, i_bias, W1, b1, W2, b2, W4, b4):
    param_u = _renorm(jnp.take(users, u, axis=0))
    param_v = _renorm(jnp.take(items, v, axis=0))
    uv = (param_u * param_v) @ W1 + b1
    uv = jax.nn.sigmoid(uv @ W2 + b2)
    uv = uv @ W4 + b4
    uv = uv.reshape(uv.shape[0])
    return uv + jnp.take(u_bias, u, axis=0).squeeze(-1) + jnp.take(i_bias, v, axis=0).squeeze(-1)

if __name__ == "__main__":
    import jax
    _d = setup_inputs()
    print(jax.jit(kernel)(*tuple(_d.values())))

</pallas_src>

<mosaic_0001>
#map = affine_map<(d0, d1) -> (0, 0)>
module attributes {stable_mosaic.version = 14 : i64} {
  func.func @_sc_gather_body(%arg0: i32, %arg1: i32, %arg2: memref<128x128xi32, #tpu.memory_space<hbm>>, %arg3: memref<128x128xi32, #tpu.memory_space<hbm>>, %arg4: memref<100000x16xf32, #tpu.memory_space<hbm>>, %arg5: memref<100000x16xf32, #tpu.memory_space<hbm>>, %arg6: memref<16384x16xf32, #tpu.memory_space<hbm>>, %arg7: memref<16384x16xf32, #tpu.memory_space<hbm>>, %arg8: memref<4x128xi32, #tpu.memory_space<vmem>>, %arg9: memref<4x128xi32, #tpu.memory_space<vmem>>, %arg10: memref<4x128x16xf32, #tpu.memory_space<vmem>>, %arg11: memref<4x128x16xf32, #tpu.memory_space<vmem>>, %arg12: memref<!tpu.dma_semaphore, #tpu.memory_space<semaphore_mem>>) attributes {dimension_semantics = [#tpu.dimension_semantics<core_parallel>, #tpu.dimension_semantics<subcore_parallel>], iteration_bounds = array<i64: 2, 16>, scalar_prefetch = 0 : i64, scratch_operands = 5 : i64, tpu.core_type = #tpu.core_type<sc_vector_subcore>, window_params = [{transform_indices = #map}, {transform_indices = #map}, {transform_indices = #map}, {transform_indices = #map}, {transform_indices = #map}, {transform_indices = #map}]} {
    %mul3A = arith.constant 2 : i32
    %mul3A_0 = arith.muli %arg1, %mul3A : i32
    %add3A = arith.addi %mul3A_0, %arg0 : i32
    %mul3A_1 = arith.constant 4 : i32
    %mul3A_2 = arith.muli %add3A, %mul3A_1 : i32
    "tpu.region"() ({
      %run_scoped3A_232 = tpu.sem_alloc : memref<!tpu.dma_semaphore, #tpu.memory_space<semaphore_mem>>
      %dma_start3A_233 = arith.constant 0 : i32
      %dma_start3A_234 = tpu.memref_slice %arg2[%mul3A_2, %dma_start3A_233] : memref<128x128xi32, #tpu.memory_space<hbm>> -> memref<4x128xi32, #tpu.memory_space<hbm>>
      %dma_start3A_235 = arith.constant 0 : i32
      %dma_start3A_236 = tpu.memref_slice %arg2[%mul3A_2, %dma_start3A_235] : memref<128x128xi32, #tpu.memory_space<hbm>> -> memref<4x128xi32, #tpu.memory_space<hbm>>
      tpu.enqueue_dma source(%dma_start3A_236 : memref<4x128xi32, #tpu.memory_space<hbm>>) target(%arg8 : memref<4x128xi32, #tpu.memory_space<vmem>>) target_semaphore(%run_scoped3A_232 : memref<!tpu.dma_semaphore, #tpu.memory_space<semaphore_mem>>)
      %dma_wait3A_237 = arith.constant 0 : i32
      %dma_wait3A_238 = tpu.memref_slice %arg2[%mul3A_2, %dma_wait3A_237] : memref<128x128xi32, #tpu.memory_space<hbm>> -> memref<4x128xi32, #tpu.memory_space<hbm>>
      %dma_wait3A_239 = arith.constant 0 : i32
      %dma_wait3A_240 = tpu.memref_slice %arg2[%mul3A_2, %dma_wait3A_239] : memref<128x128xi32, #tpu.memory_space<hbm>> -> memref<4x128xi32, #tpu.memory_space<hbm>>
      tpu.wait_dma2 semaphore(%run_scoped3A_232 : memref<!tpu.dma_semaphore, #tpu.memory_space<semaphore_mem>>) src(%dma_wait3A_240 : memref<4x128xi32, #tpu.memory_space<hbm>>) dst(%arg8 : memref<4x128xi32, #tpu.memory_space<vmem>>)
      tpu.yield
    }) : () -> ()
    "tpu.region"() ({
      %run_scoped3A_232 = tpu.sem_alloc : memref<!tpu.dma_semaphore, #tpu.memory_space<semaphore_mem>>
      %dma_start3A_233 = arith.constant 0 : i32
      %dma_start3A_234 = tpu.memref_slice %arg3[%mul3A_2, %dma_start3A_233] : memref<128x128xi32, #tpu.memory_space<hbm>> -> memref<4x128xi32, #tpu.memory_space<hbm>>
      %dma_start3A_235 = arith.constant 0 : i32
      %dma_start3A_236 = tpu.memref_slice %arg3[%mul3A_2, %dma_start3A_235] : memref<128x128xi32, #tpu.memory_space<hbm>> -> memref<4x128xi32, #tpu.memory_space<hbm>>
      tpu.enqueue_dma source(%dma_start3A_236 : memref<4x128xi32, #tpu.memory_space<hbm>>) target(%arg9 : memref<4x128xi32, #tpu.memory_space<vmem>>) target_semaphore(%run_scoped3A_232 : memref<!tpu.dma_semaphore, #tpu.memory_space<semaphore_mem>>)
      %dma_wait3A_237 = arith.constant 0 : i32
      %dma_wait3A_238 = tpu.memref_slice %arg3[%mul3A_2, %dma_wait3A_237] : memref<128x128xi32, #tpu.memory_space<hbm>> -> memref<4x128xi32, #tpu.memory_space<hbm>>
      %dma_wait3A_239 = arith.constant 0 : i32
      %dma_wait3A_240 = tpu.memref_slice %arg3[%mul3A_2, %dma_wait3A_239] : memref<128x128xi32, #tpu.memory_space<hbm>> -> memref<4x128xi32, #tpu.memory_space<hbm>>
      tpu.wait_dma2 semaphore(%run_scoped3A_232 : memref<!tpu.dma_semaphore, #tpu.memory_space<semaphore_mem>>) src(%dma_wait3A_240 : memref<4x128xi32, #tpu.memory_space<hbm>>) dst(%arg9 : memref<4x128xi32, #tpu.memory_space<vmem>>)
      tpu.yield
    }) : () -> ()
    %dma_start3A = arith.constant 0 : i32
    %dma_start3A_3 = arith.constant 0 : i32
    %dma_start3A_4 = arith.constant 0 : i32
    %dma_start3A_5 = arith.constant 0 : i32
    %dma_start3A_6 = tpu.memref_slice %arg10[%dma_start3A_3, %dma_start3A_4, %dma_start3A_5] : memref<4x128x16xf32, #tpu.memory_space<vmem>> -> memref<1x128x16xf32, #tpu.memory_space<vmem>>
    %dma_start3A_7 = tpu.memref_squeeze %dma_start3A_6 : memref<1x128x16xf32, #tpu.memory_space<vmem>> -> memref<128x16xf32, #tpu.memory_space<vmem>>
    %dma_start3A_8 = arith.constant 0 : i32
    %dma_start3A_9 = tpu.memref_slice %arg8[%dma_start3A, %dma_start3A_8] : memref<4x128xi32, #tpu.memory_space<vmem>> -> memref<1x128xi32, #tpu.memory_space<vmem>>
    %dma_start3A_10 = tpu.memref_squeeze %dma_start3A_9 : memref<1x128xi32, #tpu.memory_space<vmem>> -> memref<128xi32, #tpu.memory_space<vmem>>
    %dma_start3A_11 = arith.constant 0 : i32
    %dma_start3A_12 = arith.constant 0 : i32
    %dma_start3A_13 = tpu.memref_slice %arg4[%dma_start3A_11, %dma_start3A_12] : memref<100000x16xf32, #tpu.memory_space<hbm>> -> memref<100000x16xf32, #tpu.memory_space<hbm>>
    tpu.enqueue_indirect_dma source(%dma_start3A_13 : memref<100000x16xf32, #tpu.memory_space<hbm>>) target(%dma_start3A_7 : memref<128x16xf32, #tpu.memory_space<vmem>>) offsets(%dma_start3A_10 : memref<128xi32, #tpu.memory_space<vmem>>) semaphore(%arg12 : memref<!tpu.dma_semaphore, #tpu.memory_space<semaphore_mem>>)
    %dma_start3A_14 = arith.constant 0 : i32
    %dma_start3A_15 = arith.constant 0 : i32
    %dma_start3A_16 = arith.constant 0 : i32
    %dma_start3A_17 = arith.constant 0 : i32
    %dma_start3A_18 = tpu.memref_slice %arg11[%dma_start3A_15, %dma_start3A_16, %dma_start3A_17] : memref<4x128x16xf32, #tpu.memory_space<vmem>> -> memref<1x128x16xf32, #tpu.memory_space<vmem>>
    %dma_start3A_19 = tpu.memref_squeeze %dma_start3A_18 : memref<1x128x16xf32, #tpu.memory_space<vmem>> -> memref<128x16xf32, #tpu.memory_space<vmem>>
    %dma_start3A_20 = arith.constant 0 : i32
    %dma_start3A_21 = tpu.memref_slice %arg9[%dma_start3A_14, %dma_start3A_20] : memref<4x128xi32, #tpu.memory_space<vmem>> -> memref<1x128xi32, #tpu.memory_space<vmem>>
    %dma_start3A_22 = tpu.memref_squeeze %dma_start3A_21 : memref<1x128xi32, #tpu.memory_space<vmem>> -> memref<128xi32, #tpu.memory_space<vmem>>
    %dma_start3A_23 = arith.constant 0 : i32
    %dma_start3A_24 = arith.constant 0 : i32
    %dma_start3A_25 = tpu.memref_slice %arg5[%dma_start3A_23, %dma_start3A_24] : memref<100000x16xf32, #tpu.memory_space<hbm>> -> memref<100000x16xf32, #tpu.memory_space<hbm>>
    tpu.enqueue_indirect_dma source(%dma_start3A_25 : memref<100000x16xf32, #tpu.memory_space<hbm>>) target(%dma_start3A_19 : memref<128x16xf32, #tpu.memory_space<vmem>>) offsets(%dma_start3A_22 : memref<128xi32, #tpu.memory_space<vmem>>) semaphore(%arg12 : memref<!tpu.dma_semaphore, #tpu.memory_space<semaphore_mem>>)
    %dma_start3A_26 = arith.constant 1 : i32
    %dma_start3A_27 = arith.constant 1 : i32
    %dma_start3A_28 = arith.constant 0 : i32
    %dma_start3A_29 = arith.constant 0 : i32
    %dma_start3A_30 = tpu.memref_slice %arg10[%dma_start3A_27, %dma_start3A_28, %dma_start3A_29] : memref<4x128x16xf32, #tpu.memory_space<vmem>> -> memref<1x128x16xf32, #tpu.memory_space<vmem>>
    %dma_start3A_31 = tpu.memref_squeeze %dma_start3A_30 : memref<1x128x16xf32, #tpu.memory_space<vmem>> -> memref<128x16xf32, #tpu.memory_space<vmem>>
    %dma_start3A_32 = arith.constant 0 : i32
    %dma_start3A_33 = tpu.memref_slice %arg8[%dma_start3A_26, %dma_start3A_32] : memref<4x128xi32, #tpu.memory_space<vmem>> -> memref<1x128xi32, #tpu.memory_space<vmem>>
    %dma_start3A_34 = tpu.memref_squeeze %dma_start3A_33 : memref<1x128xi32, #tpu.memory_space<vmem>> -> memref<128xi32, #tpu.memory_space<vmem>>
    %dma_start3A_35 = arith.constant 0 : i32
    %dma_start3A_36 = arith.constant 0 : i32
    %dma_start3A_37 = tpu.memref_slice %arg4[%dma_start3A_35, %dma_start3A_36] : memref<100000x16xf32, #tpu.memory_space<hbm>> -> memref<100000x16xf32, #tpu.memory_space<hbm>>
    tpu.enqueue_indirect_dma source(%dma_start3A_37 : memref<100000x16xf32, #tpu.memory_space<hbm>>) target(%dma_start3A_31 : memref<128x16xf32, #tpu.memory_space<vmem>>) offsets(%dma_start3A_34 : memref<128xi32, #tpu.memory_space<vmem>>) semaphore(%arg12 : memref<!tpu.dma_semaphore, #tpu.memory_space<semaphore_mem>>)
    %dma_start3A_38 = arith.constant 1 : i32
    %dma_start3A_39 = arith.constant 1 : i32
    %dma_start3A_40 = arith.constant 0 : i32
    %dma_start3A_41 = arith.constant 0 : i32
    %dma_start3A_42 = tpu.memref_slice %arg11[%dma_start3A_39, %dma_start3A_40, %dma_start3A_41] : memref<4x128x16xf32, #tpu.memory_space<vmem>> -> memref<1x128x16xf32, #tpu.memory_space<vmem>>
    %dma_start3A_43 = tpu.memref_squeeze %dma_start3A_42 : memref<1x128x16xf32, #tpu.memory_space<vmem>> -> memref<128x16xf32, #tpu.memory_space<vmem>>
    %dma_start3A_44 = arith.constant 0 : i32
    %dma_start3A_45 = tpu.memref_slice %arg9[%dma_start3A_38, %dma_start3A_44] : memref<4x128xi32, #tpu.memory_space<vmem>> -> memref<1x128xi32, #tpu.memory_space<vmem>>
    %dma_start3A_46 = tpu.memref_squeeze %dma_start3A_45 : memref<1x128xi32, #tpu.memory_space<vmem>> -> memref<128xi32, #tpu.memory_space<vmem>>
    %dma_start3A_47 = arith.constant 0 : i32
    %dma_start3A_48 = arith.constant 0 : i32
    %dma_start3A_49 = tpu.memref_slice %arg5[%dma_start3A_47, %dma_start3A_48] : memref<100000x16xf32, #tpu.memory_space<hbm>> -> memref<100000x16xf32, #tpu.memory_space<hbm>>
    tpu.enqueue_indirect_dma source(%dma_start3A_49 : memref<100000x16xf32, #tpu.memory_space<hbm>>) target(%dma_start3A_43 : memref<128x16xf32, #tpu.memory_space<vmem>>) offsets(%dma_start3A_46 : memref<128xi32, #tpu.memory_space<vmem>>) semaphore(%arg12 : memref<!tpu.dma_semaphore, #tpu.memory_space<semaphore_mem>>)
    %dma_start3A_50 = arith.constant 2 : i32
    %dma_start3A_51 = arith.constant 2 : i32
    %dma_start3A_52 = arith.constant 0 : i32
    %dma_start3A_53 = arith.constant 0 : i32
    %dma_start3A_54 = tpu.memref_slice %arg10[%dma_start3A_51, %dma_start3A_52, %dma_start3A_53] : memref<4x128x16xf32, #tpu.memory_space<vmem>> -> memref<1x128x16xf32, #tpu.memory_space<vmem>>
    %dma_start3A_55 = tpu.memref_squeeze %dma_start3A_54 : memref<1x128x16xf32, #tpu.memory_space<vmem>> -> memref<128x16xf32, #tpu.memory_space<vmem>>
    %dma_start3A_56 = arith.constant 0 : i32
    %dma_start3A_57 = tpu.memref_slice %arg8[%dma_start3A_50, %dma_start3A_56] : memref<4x128xi32, #tpu.memory_space<vmem>> -> memref<1x128xi32, #tpu.memory_space<vmem>>
    %dma_start3A_58 = tpu.memref_squeeze %dma_start3A_57 : memref<1x128xi32, #tpu.memory_space<vmem>> -> memref<128xi32, #tpu.memory_space<vmem>>
    %dma_start3A_59 = arith.constant 0 : i32
    %dma_start3A_60 = arith.constant 0 : i32
    %dma_start3A_61 = tpu.memref_slice %arg4[%dma_start3A_59, %dma_start3A_60] : memref<100000x16xf32, #tpu.memory_space<hbm>> -> memref<100000x16xf32, #tpu.memory_space<hbm>>
    tpu.enqueue_indirect_dma source(%dma_start3A_61 : memref<100000x16xf32, #tpu.memory_space<hbm>>) target(%dma_start3A_55 : memref<128x16xf32, #tpu.memory_space<vmem>>) offsets(%dma_start3A_58 : memref<128xi32, #tpu.memory_space<vmem>>) semaphore(%arg12 : memref<!tpu.dma_semaphore, #tpu.memory_space<semaphore_mem>>)
    %dma_start3A_62 = arith.constant 2 : i32
    %dma_start3A_63 = arith.constant 2 : i32
    %dma_start3A_64 = arith.constant 0 : i32
    %dma_start3A_65 = arith.constant 0 : i32
    %dma_start3A_66 = tpu.memref_slice %arg11[%dma_start3A_63, %dma_start3A_64, %dma_start3A_65] : memref<4x128x16xf32, #tpu.memory_space<vmem>> -> memref<1x128x16xf32, #tpu.memory_space<vmem>>
    %dma_start3A_67 = tpu.memref_squeeze %dma_start3A_66 : memref<1x128x16xf32, #tpu.memory_space<vmem>> -> memref<128x16xf32, #tpu.memory_space<vmem>>
    %dma_start3A_68 = arith.constant 0 : i32
    %dma_start3A_69 = tpu.memref_slice %arg9[%dma_start3A_62, %dma_start3A_68] : memref<4x128xi32, #tpu.memory_space<vmem>> -> memref<1x128xi32, #tpu.memory_space<vmem>>
    %dma_start3A_70 = tpu.memref_squeeze %dma_start3A_69 : memref<1x128xi32, #tpu.memory_space<vmem>> -> memref<128xi32, #tpu.memory_space<vmem>>
    %dma_start3A_71 = arith.constant 0 : i32
    %dma_start3A_72 = arith.constant 0 : i32
    %dma_start3A_73 = tpu.memref_slice %arg5[%dma_start3A_71, %dma_start3A_72] : memref<100000x16xf32, #tpu.memory_space<hbm>> -> memref<100000x16xf32, #tpu.memory_space<hbm>>
    tpu.enqueue_indirect_dma source(%dma_start3A_73 : memref<100000x16xf32, #tpu.memory_space<hbm>>) target(%dma_start3A_67 : memref<128x16xf32, #tpu.memory_space<vmem>>) offsets(%dma_start3A_70 : memref<128xi32, #tpu.memory_space<vmem>>) semaphore(%arg12 : memref<!tpu.dma_semaphore, #tpu.memory_space<semaphore_mem>>)
    %dma_start3A_74 = arith.constant 3 : i32
    %dma_start3A_75 = arith.constant 3 : i32
    %dma_start3A_76 = arith.constant 0 : i32
    %dma_start3A_77 = arith.constant 0 : i32
    %dma_start3A_78 = tpu.memref_slice %arg10[%dma_start3A_75, %dma_start3A_76, %dma_start3A_77] : memref<4x128x16xf32, #tpu.memory_space<vmem>> -> memref<1x128x16xf32, #tpu.memory_space<vmem>>
    %dma_start3A_79 = tpu.memref_squeeze %dma_start3A_78 : memref<1x128x16xf32, #tpu.memory_space<vmem>> -> memref<128x16xf32, #tpu.memory_space<vmem>>
    %dma_start3A_80 = arith.constant 0 : i32
    %dma_start3A_81 = tpu.memref_slice %arg8[%dma_start3A_74, %dma_start3A_80] : memref<4x128xi32, #tpu.memory_space<vmem>> -> memref<1x128xi32, #tpu.memory_space<vmem>>
    %dma_start3A_82 = tpu.memref_squeeze %dma_start3A_81 : memref<1x128xi32, #tpu.memory_space<vmem>> -> memref<128xi32, #tpu.memory_space<vmem>>
    %dma_start3A_83 = arith.constant 0 : i32
    %dma_start3A_84 = arith.constant 0 : i32
    %dma_start3A_85 = tpu.memref_slice %arg4[%dma_start3A_83, %dma_start3A_84] : memref<100000x16xf32, #tpu.memory_space<hbm>> -> memref<100000x16xf32, #tpu.memory_space<hbm>>
    tpu.enqueue_indirect_dma source(%dma_start3A_85 : memref<100000x16xf32, #tpu.memory_space<hbm>>) target(%dma_start3A_79 : memref<128x16xf32, #tpu.memory_space<vmem>>) offsets(%dma_start3A_82 : memref<128xi32, #tpu.memory_space<vmem>>) semaphore(%arg12 : memref<!tpu.dma_semaphore, #tpu.memory_space<semaphore_mem>>)
    %dma_start3A_86 = arith.constant 3 : i32
    %dma_start3A_87 = arith.constant 3 : i32
    %dma_start3A_88 = arith.constant 0 : i32
    %dma_start3A_89 = arith.constant 0 : i32
    %dma_start3A_90 = tpu.memref_slice %arg11[%dma_start3A_87, %dma_start3A_88, %dma_start3A_89] : memref<4x128x16xf32, #tpu.memory_space<vmem>> -> memref<1x128x16xf32, #tpu.memory_space<vmem>>
    %dma_start3A_91 = tpu.memref_squeeze %dma_start3A_90 : memref<1x128x16xf32, #tpu.memory_space<vmem>> -> memref<128x16xf32, #tpu.memory_space<vmem>>
    %dma_start3A_92 = arith.constant 0 : i32
    %dma_start3A_93 = tpu.memref_slice %arg9[%dma_start3A_86, %dma_start3A_92] : memref<4x128xi32, #tpu.memory_space<vmem>> -> memref<1x128xi32, #tpu.memory_space<vmem>>
    %dma_start3A_94 = tpu.memref_squeeze %dma_start3A_93 : memref<1x128xi32, #tpu.memory_space<vmem>> -> memref<128xi32, #tpu.memory_space<vmem>>
    %dma_start3A_95 = arith.constant 0 : i32
    %dma_start3A_96 = arith.constant 0 : i32
    %dma_start3A_97 = tpu.memref_slice %arg5[%dma_start3A_95, %dma_start3A_96] : memref<100000x16xf32, #tpu.memory_space<hbm>> -> memref<100000x16xf32, #tpu.memory_space<hbm>>
    tpu.enqueue_indirect_dma source(%dma_start3A_97 : memref<100000x16xf32, #tpu.memory_space<hbm>>) target(%dma_start3A_91 : memref<128x16xf32, #tpu.memory_space<vmem>>) offsets(%dma_start3A_94 : memref<128xi32, #tpu.memory_space<vmem>>) semaphore(%arg12 : memref<!tpu.dma_semaphore, #tpu.memory_space<semaphore_mem>>)
    %dma_wait3A = arith.constant 0 : i32
    %dma_wait3A_98 = arith.constant 0 : i32
    %dma_wait3A_99 = arith.constant 0 : i32
    %dma_wait3A_100 = arith.constant 0 : i32
    %dma_wait3A_101 = tpu.memref_slice %arg10[%dma_wait3A_98, %dma_wait3A_99, %dma_wait3A_100] : memref<4x128x16xf32, #tpu.memory_space<vmem>> -> memref<1x128x16xf32, #tpu.memory_space<vmem>>
    %dma_wait3A_102 = tpu.memref_squeeze %dma_wait3A_101 : memref<1x128x16xf32, #tpu.memory_space<vmem>> -> memref<128x16xf32, #tpu.memory_space<vmem>>
    %dma_wait3A_103 = arith.constant 0 : i32
    %dma_wait3A_104 = tpu.memref_slice %arg8[%dma_wait3A, %dma_wait3A_103] : memref<4x128xi32, #tpu.memory_space<vmem>> -> memref<1x128xi32, #tpu.memory_space<vmem>>
    %dma_wait3A_105 = tpu.memref_squeeze %dma_wait3A_104 : memref<1x128xi32, #tpu.memory_space<vmem>> -> memref<128xi32, #tpu.memory_space<vmem>>
    %dma_wait3A_106 = arith.constant 0 : i32
    %dma_wait3A_107 = arith.constant 0 : i32
    %dma_wait3A_108 = tpu.memref_slice %arg4[%dma_wait3A_106, %dma_wait3A_107] : memref<100000x16xf32, #tpu.memory_space<hbm>> -> memref<100000x16xf32, #tpu.memory_space<hbm>>
    tpu.wait_indirect_dma semaphore(%arg12 : memref<!tpu.dma_semaphore, #tpu.memory_space<semaphore_mem>>) src(%dma_wait3A_108 : memref<100000x16xf32, #tpu.memory_space<hbm>>) dst(%dma_wait3A_102 : memref<128x16xf32, #tpu.memory_space<vmem>>)
    %dma_wait3A_109 = arith.constant 0 : i32
    %dma_wait3A_110 = arith.constant 0 : i32
    %dma_wait3A_111 = arith.constant 0 : i32
    %dma_wait3A_112 = arith.constant 0 : i32
    %dma_wait3A_113 = tpu.memref_slice %arg11[%dma_wait3A_110, %dma_wait3A_111, %dma_wait3A_112] : memref<4x128x16xf32, #tpu.memory_space<vmem>> -> memref<1x128x16xf32, #tpu.memory_space<vmem>>
    %dma_wait3A_114 = tpu.memref_squeeze %dma_wait3A_113 : memref<1x128x16xf32, #tpu.memory_space<vmem>> -> memref<128x16xf32, #tpu.memory_space<vmem>>
    %dma_wait3A_115 = arith.constant 0 : i32
    %dma_wait3A_116 = tpu.memref_slice %arg9[%dma_wait3A_109, %dma_wait3A_115] : memref<4x128xi32, #tpu.memory_space<vmem>> -> memref<1x128xi32, #tpu.memory_space<vmem>>
    %dma_wait3A_117 = tpu.memref_squeeze %dma_wait3A_116 : memref<1x128xi32, #tpu.memory_space<vmem>> -> memref<128xi32, #tpu.memory_space<vmem>>
    %dma_wait3A_118 = arith.constant 0 : i32
    %dma_wait3A_119 = arith.constant 0 : i32
    %dma_wait3A_120 = tpu.memref_slice %arg5[%dma_wait3A_118, %dma_wait3A_119] : memref<100000x16xf32, #tpu.memory_space<hbm>> -> memref<100000x16xf32, #tpu.memory_space<hbm>>
    tpu.wait_indirect_dma semaphore(%arg12 : memref<!tpu.dma_semaphore, #tpu.memory_space<semaphore_mem>>) src(%dma_wait3A_120 : memref<100000x16xf32, #tpu.memory_space<hbm>>) dst(%dma_wait3A_114 : memref<128x16xf32, #tpu.memory_space<vmem>>)
    %dma_wait3A_121 = arith.constant 1 : i32
    %dma_wait3A_122 = arith.constant 1 : i32
    %dma_wait3A_123 = arith.constant 0 : i32
    %dma_wait3A_124 = arith.constant 0 : i32
    %dma_wait3A_125 = tpu.memref_slice %arg10[%dma_wait3A_122, %dma_wait3A_123, %dma_wait3A_124] : memref<4x128x16xf32, #tpu.memory_space<vmem>> -> memref<1x128x16xf32, #tpu.memory_space<vmem>>
    %dma_wait3A_126 = tpu.memref_squeeze %dma_wait3A_125 : memref<1x128x16xf32, #tpu.memory_space<vmem>> -> memref<128x16xf32, #tpu.memory_space<vmem>>
    %dma_wait3A_127 = arith.constant 0 : i32
    %dma_wait3A_128 = tpu.memref_slice %arg8[%dma_wait3A_121, %dma_wait3A_127] : memref<4x128xi32, #tpu.memory_space<vmem>> -> memref<1x128xi32, #tpu.memory_space<vmem>>
    %dma_wait3A_129 = tpu.memref_squeeze %dma_wait3A_128 : memref<1x128xi32, #tpu.memory_space<vmem>> -> memref<128xi32, #tpu.memory_space<vmem>>
    %dma_wait3A_130 = arith.constant 0 : i32
    %dma_wait3A_131 = arith.constant 0 : i32
    %dma_wait3A_132 = tpu.memref_slice %arg4[%dma_wait3A_130, %dma_wait3A_131] : memref<100000x16xf32, #tpu.memory_space<hbm>> -> memref<100000x16xf32, #tpu.memory_space<hbm>>
    tpu.wait_indirect_dma semaphore(%arg12 : memref<!tpu.dma_semaphore, #tpu.memory_space<semaphore_mem>>) src(%dma_wait3A_132 : memref<100000x16xf32, #tpu.memory_space<hbm>>) dst(%dma_wait3A_126 : memref<128x16xf32, #tpu.memory_space<vmem>>)
    %dma_wait3A_133 = arith.constant 1 : i32
    %dma_wait3A_134 = arith.constant 1 : i32
    %dma_wait3A_135 = arith.constant 0 : i32
    %dma_wait3A_136 = arith.constant 0 : i32
    %dma_wait3A_137 = tpu.memref_slice %arg11[%dma_wait3A_134, %dma_wait3A_135, %dma_wait3A_136] : memref<4x128x16xf32, #tpu.memory_space<vmem>> -> memref<1x128x16xf32, #tpu.memory_space<vmem>>
    %dma_wait3A_138 = tpu.memref_squeeze %dma_wait3A_137 : memref<1x128x16xf32, #tpu.memory_space<vmem>> -> memref<128x16xf32, #tpu.memory_space<vmem>>
    %dma_wait3A_139 = arith.constant 0 : i32
    %dma_wait3A_140 = tpu.memref_slice %arg9[%dma_wait3A_133, %dma_wait3A_139] : memref<4x128xi32, #tpu.memory_space<vmem>> -> memref<1x128xi32, #tpu.memory_space<vmem>>
    %dma_wait3A_141 = tpu.memref_squeeze %dma_wait3A_140 : memref<1x128xi32, #tpu.memory_space<vmem>> -> memref<128xi32, #tpu.memory_space<vmem>>
    %dma_wait3A_142 = arith.constant 0 : i32
    %dma_wait3A_143 = arith.constant 0 : i32
    %dma_wait3A_144 = tpu.memref_slice %arg5[%dma_wait3A_142, %dma_wait3A_143] : memref<100000x16xf32, #tpu.memory_space<hbm>> -> memref<100000x16xf32, #tpu.memory_space<hbm>>
    tpu.wait_indirect_dma semaphore(%arg12 : memref<!tpu.dma_semaphore, #tpu.memory_space<semaphore_mem>>) src(%dma_wait3A_144 : memref<100000x16xf32, #tpu.memory_space<hbm>>) dst(%dma_wait3A_138 : memref<128x16xf32, #tpu.memory_space<vmem>>)
    %dma_wait3A_145 = arith.constant 2 : i32
    %dma_wait3A_146 = arith.constant 2 : i32
    %dma_wait3A_147 = arith.constant 0 : i32
    %dma_wait3A_148 = arith.constant 0 : i32
    %dma_wait3A_149 = tpu.memref_slice %arg10[%dma_wait3A_146, %dma_wait3A_147, %dma_wait3A_148] : memref<4x128x16xf32, #tpu.memory_space<vmem>> -> memref<1x128x16xf32, #tpu.memory_space<vmem>>
    %dma_wait3A_150 = tpu.memref_squeeze %dma_wait3A_149 : memref<1x128x16xf32, #tpu.memory_space<vmem>> -> memref<128x16xf32, #tpu.memory_space<vmem>>
    %dma_wait3A_151 = arith.constant 0 : i32
    %dma_wait3A_152 = tpu.memref_slice %arg8[%dma_wait3A_145, %dma_wait3A_151] : memref<4x128xi32, #tpu.memory_space<vmem>> -> memref<1x128xi32, #tpu.memory_space<vmem>>
    %dma_wait3A_153 = tpu.memref_squeeze %dma_wait3A_152 : memref<1x128xi32, #tpu.memory_space<vmem>> -> memref<128xi32, #tpu.memory_space<vmem>>
    %dma_wait3A_154 = arith.constant 0 : i32
    %dma_wait3A_155 = arith.constant 0 : i32
    %dma_wait3A_156 = tpu.memref_slice %arg4[%dma_wait3A_154, %dma_wait3A_155] : memref<100000x16xf32, #tpu.memory_space<hbm>> -> memref<100000x16xf32, #tpu.memory_space<hbm>>
    tpu.wait_indirect_dma semaphore(%arg12 : memref<!tpu.dma_semaphore, #tpu.memory_space<semaphore_mem>>) src(%dma_wait3A_156 : memref<100000x16xf32, #tpu.memory_space<hbm>>) dst(%dma_wait3A_150 : memref<128x16xf32, #tpu.memory_space<vmem>>)
    %dma_wait3A_157 = arith.constant 2 : i32
    %dma_wait3A_158 = arith.constant 2 : i32
    %dma_wait3A_159 = arith.constant 0 : i32
    %dma_wait3A_160 = arith.constant 0 : i32
    %dma_wait3A_161 = tpu.memref_slice %arg11[%dma_wait3A_158, %dma_wait3A_159, %dma_wait3A_160] : memref<4x128x16xf32, #tpu.memory_space<vmem>> -> memref<1x128x16xf32, #tpu.memory_space<vmem>>
    %dma_wait3A_162 = tpu.memref_squeeze %dma_wait3A_161 : memref<1x128x16xf32, #tpu.memory_space<vmem>> -> memref<128x16xf32, #tpu.memory_space<vmem>>
    %dma_wait3A_163 = arith.constant 0 : i32
    %dma_wait3A_164 = tpu.memref_slice %arg9[%dma_wait3A_157, %dma_wait3A_163] : memref<4x128xi32, #tpu.memory_space<vmem>> -> memref<1x128xi32, #tpu.memory_space<vmem>>
    %dma_wait3A_165 = tpu.memref_squeeze %dma_wait3A_164 : memref<1x128xi32, #tpu.memory_space<vmem>> -> memref<128xi32, #tpu.memory_space<vmem>>
    %dma_wait3A_166 = arith.constant 0 : i32
    %dma_wait3A_167 = arith.constant 0 : i32
    %dma_wait3A_168 = tpu.memref_slice %arg5[%dma_wait3A_166, %dma_wait3A_167] : memref<100000x16xf32, #tpu.memory_space<hbm>> -> memref<100000x16xf32, #tpu.memory_space<hbm>>
    tpu.wait_indirect_dma semaphore(%arg12 : memref<!tpu.dma_semaphore, #tpu.memory_space<semaphore_mem>>) src(%dma_wait3A_168 : memref<100000x16xf32, #tpu.memory_space<hbm>>) dst(%dma_wait3A_162 : memref<128x16xf32, #tpu.memory_space<vmem>>)
    %dma_wait3A_169 = arith.constant 3 : i32
    %dma_wait3A_170 = arith.constant 3 : i32
    %dma_wait3A_171 = arith.constant 0 : i32
    %dma_wait3A_172 = arith.constant 0 : i32
    %dma_wait3A_173 = tpu.memref_slice %arg10[%dma_wait3A_170, %dma_wait3A_171, %dma_wait3A_172] : memref<4x128x16xf32, #tpu.memory_space<vmem>> -> memref<1x128x16xf32, #tpu.memory_space<vmem>>
    %dma_wait3A_174 = tpu.memref_squeeze %dma_wait3A_173 : memref<1x128x16xf32, #tpu.memory_space<vmem>> -> memref<128x16xf32, #tpu.memory_space<vmem>>
    %dma_wait3A_175 = arith.constant 0 : i32
    %dma_wait3A_176 = tpu.memref_slice %arg8[%dma_wait3A_169, %dma_wait3A_175] : memref<4x128xi32, #tpu.memory_space<vmem>> -> memref<1x128xi32, #tpu.memory_space<vmem>>
    %dma_wait3A_177 = tpu.memref_squeeze %dma_wait3A_176 : memref<1x128xi32, #tpu.memory_space<vmem>> -> memref<128xi32, #tpu.memory_space<vmem>>
    %dma_wait3A_178 = arith.constant 0 : i32
    %dma_wait3A_179 = arith.constant 0 : i32
    %dma_wait3A_180 = tpu.memref_slice %arg4[%dma_wait3A_178, %dma_wait3A_179] : memref<100000x16xf32, #tpu.memory_space<hbm>> -> memref<100000x16xf32, #tpu.memory_space<hbm>>
    tpu.wait_indirect_dma semaphore(%arg12 : memref<!tpu.dma_semaphore, #tpu.memory_space<semaphore_mem>>) src(%dma_wait3A_180 : memref<100000x16xf32, #tpu.memory_space<hbm>>) dst(%dma_wait3A_174 : memref<128x16xf32, #tpu.memory_space<vmem>>)
    %dma_wait3A_181 = arith.constant 3 : i32
    %dma_wait3A_182 = arith.constant 3 : i32
    %dma_wait3A_183 = arith.constant 0 : i32
    %dma_wait3A_184 = arith.constant 0 : i32
    %dma_wait3A_185 = tpu.memref_slice %arg11[%dma_wait3A_182, %dma_wait3A_183, %dma_wait3A_184] : memref<4x128x16xf32, #tpu.memory_space<vmem>> -> memref<1x128x16xf32, #tpu.memory_space<vmem>>
    %dma_wait3A_186 = tpu.memref_squeeze %dma_wait3A_185 : memref<1x128x16xf32, #tpu.memory_space<vmem>> -> memref<128x16xf32, #tpu.memory_space<vmem>>
    %dma_wait3A_187 = arith.constant 0 : i32
    %dma_wait3A_188 = tpu.memref_slice %arg9[%dma_wait3A_181, %dma_wait3A_187] : memref<4x128xi32, #tpu.memory_space<vmem>> -> memref<1x128xi32, #tpu.memory_space<vmem>>
    %dma_wait3A_189 = tpu.memref_squeeze %dma_wait3A_188 : memref<1x128xi32, #tpu.memory_space<vmem>> -> memref<128xi32, #tpu.memory_space<vmem>>
    %dma_wait3A_190 = arith.constant 0 : i32
    %dma_wait3A_191 = arith.constant 0 : i32
    %dma_wait3A_192 = tpu.memref_slice %arg5[%dma_wait3A_190, %dma_wait3A_191] : memref<100000x16xf32, #tpu.memory_space<hbm>> -> memref<100000x16xf32, #tpu.memory_space<hbm>>
    tpu.wait_indirect_dma semaphore(%arg12 : memref<!tpu.dma_semaphore, #tpu.memory_space<semaphore_mem>>) src(%dma_wait3A_192 : memref<100000x16xf32, #tpu.memory_space<hbm>>) dst(%dma_wait3A_186 : memref<128x16xf32, #tpu.memory_space<vmem>>)
    %add3A_193 = arith.constant 0 : i32
    %add3A_194 = arith.addi %mul3A_2, %add3A_193 : i32
    %mul3A_195 = arith.constant 128 : i32
    %mul3A_196 = arith.muli %add3A_194, %mul3A_195 : i32
    %run_scoped3A = arith.constant 0 : i32
    "tpu.region"() ({
      %run_scoped3A_232 = tpu.sem_alloc : memref<!tpu.dma_semaphore, #tpu.memory_space<semaphore_mem>>
      %dma_start3A_233 = arith.constant 0 : i32
      %dma_start3A_234 = arith.constant 0 : i32
      %dma_start3A_235 = tpu.memref_slice %arg10[%run_scoped3A, %dma_start3A_233, %dma_start3A_234] : memref<4x128x16xf32, #tpu.memory_space<vmem>> -> memref<1x128x16xf32, #tpu.memory_space<vmem>>
      %dma_start3A_236 = tpu.memref_squeeze %dma_start3A_235 : memref<1x128x16xf32, #tpu.memory_space<vmem>> -> memref<128x16xf32, #tpu.memory_space<vmem>>
      %dma_start3A_237 = arith.constant 0 : i32
      %dma_start3A_238 = tpu.memref_slice %arg6[%mul3A_196, %dma_start3A_237] : memref<16384x16xf32, #tpu.memory_space<hbm>> -> memref<128x16xf32, #tpu.memory_space<hbm>>
      %dma_start3A_239 = arith.constant 0 : i32
      %dma_start3A_240 = tpu.memref_slice %arg6[%mul3A_196, %dma_start3A_239] : memref<16384x16xf32, #tpu.memory_space<hbm>> -> memref<128x16xf32, #tpu.memory_space<hbm>>
      %dma_start3A_241 = arith.constant 0 : i32
      %dma_start3A_242 = arith.constant 0 : i32
      %dma_start3A_243 = tpu.memref_slice %arg10[%run_scoped3A, %dma_start3A_241, %dma_start3A_242] : memref<4x128x16xf32, #tpu.memory_space<vmem>> -> memref<1x128x16xf32, #tpu.memory_space<vmem>>
      %dma_start3A_244 = tpu.memref_squeeze %dma_start3A_243 : memref<1x128x16xf32, #tpu.memory_space<vmem>> -> memref<128x16xf32, #tpu.memory_space<vmem>>
      tpu.enqueue_dma source(%dma_start3A_244 : memref<128x16xf32, #tpu.memory_space<vmem>>) target(%dma_start3A_240 : memref<128x16xf32, #tpu.memory_space<hbm>>) target_semaphore(%run_scoped3A_232 : memref<!tpu.dma_semaphore, #tpu.memory_space<semaphore_mem>>)
      %dma_wait3A_245 = arith.constant 0 : i32
      %dma_wait3A_246 = arith.constant 0 : i32
      %dma_wait3A_247 = tpu.memref_slice %arg10[%run_scoped3A, %dma_wait3A_245, %dma_wait3A_246] : memref<4x128x16xf32, #tpu.memory_space<vmem>> -> memref<1x128x16xf32, #tpu.memory_space<vmem>>
      %dma_wait3A_248 = tpu.memref_squeeze %dma_wait3A_247 : memref<1x128x16xf32, #tpu.memory_space<vmem>> -> memref<128x16xf32, #tpu.memory_space<vmem>>
      %dma_wait3A_249 = arith.constant 0 : i32
      %dma_wait3A_250 = tpu.memref_slice %arg6[%mul3A_196, %dma_wait3A_249] : memref<16384x16xf32, #tpu.memory_space<hbm>> -> memref<128x16xf32, #tpu.memory_space<hbm>>
      %dma_wait3A_251 = arith.constant 0 : i32
      %dma_wait3A_252 = tpu.memref_slice %arg6[%mul3A_196, %dma_wait3A_251] : memref<16384x16xf32, #tpu.memory_space<hbm>> -> memref<128x16xf32, #tpu.memory_space<hbm>>
      %dma_wait3A_253 = arith.constant 0 : i32
      %dma_wait3A_254 = arith.constant 0 : i32
      %dma_wait3A_255 = tpu.memref_slice %arg10[%run_scoped3A, %dma_wait3A_253, %dma_wait3A_254] : memref<4x128x16xf32, #tpu.memory_space<vmem>> -> memref<1x128x16xf32, #tpu.memory_space<vmem>>
      %dma_wait3A_256 = tpu.memref_squeeze %dma_wait3A_255 : memref<1x128x16xf32, #tpu.memory_space<vmem>> -> memref<128x16xf32, #tpu.memory_space<vmem>>
      tpu.wait_dma2 semaphore(%run_scoped3A_232 : memref<!tpu.dma_semaphore, #tpu.memory_space<semaphore_mem>>) src(%dma_wait3A_256 : memref<128x16xf32, #tpu.memory_space<vmem>>) dst(%dma_wait3A_252 : memref<128x16xf32, #tpu.memory_space<hbm>>)
      tpu.yield
    }) : () -> ()
    %add3A_197 = arith.constant 0 : i32
    %add3A_198 = arith.addi %mul3A_2, %add3A_197 : i32
    %mul3A_199 = arith.constant 128 : i32
    %mul3A_200 = arith.muli %add3A_198, %mul3A_199 : i32
    %run_scoped3A_201 = arith.constant 0 : i32
    "tpu.region"() ({
      %run_scoped3A_232 = tpu.sem_alloc : memref<!tpu.dma_semaphore, #tpu.memory_space<semaphore_mem>>
      %dma_start3A_233 = arith.constant 0 : i32
      %dma_start3A_234 = arith.constant 0 : i32
      %dma_start3A_235 = tpu.memref_slice %arg11[%run_scoped3A_201, %dma_start3A_233, %dma_start3A_234] : memref<4x128x16xf32, #tpu.memory_space<vmem>> -> memref<1x128x16xf32, #tpu.memory_space<vmem>>
      %dma_start3A_236 = tpu.memref_squeeze %dma_start3A_235 : memref<1x128x16xf32, #tpu.memory_space<vmem>> -> memref<128x16xf32, #tpu.memory_space<vmem>>
      %dma_start3A_237 = arith.constant 0 : i32
      %dma_start3A_238 = tpu.memref_slice %arg7[%mul3A_200, %dma_start3A_237] : memref<16384x16xf32, #tpu.memory_space<hbm>> -> memref<128x16xf32, #tpu.memory_space<hbm>>
      %dma_start3A_239 = arith.constant 0 : i32
      %dma_start3A_240 = tpu.memref_slice %arg7[%mul3A_200, %dma_start3A_239] : memref<16384x16xf32, #tpu.memory_space<hbm>> -> memref<128x16xf32, #tpu.memory_space<hbm>>
      %dma_start3A_241 = arith.constant 0 : i32
      %dma_start3A_242 = arith.constant 0 : i32
      %dma_start3A_243 = tpu.memref_slice %arg11[%run_scoped3A_201, %dma_start3A_241, %dma_start3A_242] : memref<4x128x16xf32, #tpu.memory_space<vmem>> -> memref<1x128x16xf32, #tpu.memory_space<vmem>>
      %dma_start3A_244 = tpu.memref_squeeze %dma_start3A_243 : memref<1x128x16xf32, #tpu.memory_space<vmem>> -> memref<128x16xf32, #tpu.memory_space<vmem>>
      tpu.enqueue_dma source(%dma_start3A_244 : memref<128x16xf32, #tpu.memory_space<vmem>>) target(%dma_start3A_240 : memref<128x16xf32, #tpu.memory_space<hbm>>) target_semaphore(%run_scoped3A_232 : memref<!tpu.dma_semaphore, #tpu.memory_space<semaphore_mem>>)
      %dma_wait3A_245 = arith.constant 0 : i32
      %dma_wait3A_246 = arith.constant 0 : i32
      %dma_wait3A_247 = tpu.memref_slice %arg11[%run_scoped3A_201, %dma_wait3A_245, %dma_wait3A_246] : memref<4x128x16xf32, #tpu.memory_space<vmem>> -> memref<1x128x16xf32, #tpu.memory_space<vmem>>
      %dma_wait3A_248 = tpu.memref_squeeze %dma_wait3A_247 : memref<1x128x16xf32, #tpu.memory_space<vmem>> -> memref<128x16xf32, #tpu.memory_space<vmem>>
      %dma_wait3A_249 = arith.constant 0 : i32
      %dma_wait3A_250 = tpu.memref_slice %arg7[%mul3A_200, %dma_wait3A_249] : memref<16384x16xf32, #tpu.memory_space<hbm>> -> memref<128x16xf32, #tpu.memory_space<hbm>>
      %dma_wait3A_251 = arith.constant 0 : i32
      %dma_wait3A_252 = tpu.memref_slice %arg7[%mul3A_200, %dma_wait3A_251] : memref<16384x16xf32, #tpu.memory_space<hbm>> -> memref<128x16xf32, #tpu.memory_space<hbm>>
      %dma_wait3A_253 = arith.constant 0 : i32
      %dma_wait3A_254 = arith.constant 0 : i32
      %dma_wait3A_255 = tpu.memref_slice %arg11[%run_scoped3A_201, %dma_wait3A_253, %dma_wait3A_254] : memref<4x128x16xf32, #tpu.memory_space<vmem>> -> memref<1x128x16xf32, #tpu.memory_space<vmem>>
      %dma_wait3A_256 = tpu.memref_squeeze %dma_wait3A_255 : memref<1x128x16xf32, #tpu.memory_space<vmem>> -> memref<128x16xf32, #tpu.memory_space<vmem>>
      tpu.wait_dma2 semaphore(%run_scoped3A_232 : memref<!tpu.dma_semaphore, #tpu.memory_space<semaphore_mem>>) src(%dma_wait3A_256 : memref<128x16xf32, #tpu.memory_space<vmem>>) dst(%dma_wait3A_252 : memref<128x16xf32, #tpu.memory_space<hbm>>)
      tpu.yield
    }) : () -> ()
    %add3A_202 = arith.constant 1 : i32
    %add3A_203 = arith.addi %mul3A_2, %add3A_202 : i32
    %mul3A_204 = arith.constant 128 : i32
    %mul3A_205 = arith.muli %add3A_203, %mul3A_204 : i32
    %run_scoped3A_206 = arith.constant 1 : i32
    "tpu.region"() ({
      %run_scoped3A_232 = tpu.sem_alloc : memref<!tpu.dma_semaphore, #tpu.memory_space<semaphore_mem>>
      %dma_start3A_233 = arith.constant 0 : i32
      %dma_start3A_234 = arith.constant 0 : i32
      %dma_start3A_235 = tpu.memref_slice %arg10[%run_scoped3A_206, %dma_start3A_233, %dma_start3A_234] : memref<4x128x16xf32, #tpu.memory_space<vmem>> -> memref<1x128x16xf32, #tpu.memory_space<vmem>>
      %dma_start3A_236 = tpu.memref_squeeze %dma_start3A_235 : memref<1x128x16xf32, #tpu.memory_space<vmem>> -> memref<128x16xf32, #tpu.memory_space<vmem>>
      %dma_start3A_237 = arith.constant 0 : i32
      %dma_start3A_238 = tpu.memref_slice %arg6[%mul3A_205, %dma_start3A_237] : memref<16384x16xf32, #tpu.memory_space<hbm>> -> memref<128x16xf32, #tpu.memory_space<hbm>>
      %dma_start3A_239 = arith.constant 0 : i32
      %dma_start3A_240 = tpu.memref_slice %arg6[%mul3A_205, %dma_start3A_239] : memref<16384x16xf32, #tpu.memory_space<hbm>> -> memref<128x16xf32, #tpu.memory_space<hbm>>
      %dma_start3A_241 = arith.constant 0 : i32
      %dma_start3A_242 = arith.constant 0 : i32
      %dma_start3A_243 = tpu.memref_slice %arg10[%run_scoped3A_206, %dma_start3A_241, %dma_start3A_242] : memref<4x128x16xf32, #tpu.memory_space<vmem>> -> memref<1x128x16xf32, #tpu.memory_space<vmem>>
      %dma_start3A_244 = tpu.memref_squeeze %dma_start3A_243 : memref<1x128x16xf32, #tpu.memory_space<vmem>> -> memref<128x16xf32, #tpu.memory_space<vmem>>
      tpu.enqueue_dma source(%dma_start3A_244 : memref<128x16xf32, #tpu.memory_space<vmem>>) target(%dma_start3A_240 : memref<128x16xf32, #tpu.memory_space<hbm>>) target_semaphore(%run_scoped3A_232 : memref<!tpu.dma_semaphore, #tpu.memory_space<semaphore_mem>>)
      %dma_wait3A_245 = arith.constant 0 : i32
      %dma_wait3A_246 = arith.constant 0 : i32
      %dma_wait3A_247 = tpu.memref_slice %arg10[%run_scoped3A_206, %dma_wait3A_245, %dma_wait3A_246] : memref<4x128x16xf32, #tpu.memory_space<vmem>> -> memref<1x128x16xf32, #tpu.memory_space<vmem>>
      %dma_wait3A_248 = tpu.memref_squeeze %dma_wait3A_247 : memref<1x128x16xf32, #tpu.memory_space<vmem>> -> memref<128x16xf32, #tpu.memory_space<vmem>>
      %dma_wait3A_249 = arith.constant 0 : i32
      %dma_wait3A_250 = tpu.memref_slice %arg6[%mul3A_205, %dma_wait3A_249] : memref<16384x16xf32, #tpu.memory_space<hbm>> -> memref<128x16xf32, #tpu.memory_space<hbm>>
      %dma_wait3A_251 = arith.constant 0 : i32
      %dma_wait3A_252 = tpu.memref_slice %arg6[%mul3A_205, %dma_wait3A_251] : memref<16384x16xf32, #tpu.memory_space<hbm>> -> memref<128x16xf32, #tpu.memory_space<hbm>>
      %dma_wait3A_253 = arith.constant 0 : i32
      %dma_wait3A_254 = arith.constant 0 : i32
      %dma_wait3A_255 = tpu.memref_slice %arg10[%run_scoped3A_206, %dma_wait3A_253, %dma_wait3A_254] : memref<4x128x16xf32, #tpu.memory_space<vmem>> -> memref<1x128x16xf32, #tpu.memory_space<vmem>>
      %dma_wait3A_256 = tpu.memref_squeeze %dma_wait3A_255 : memref<1x128x16xf32, #tpu.memory_space<vmem>> -> memref<128x16xf32, #tpu.memory_space<vmem>>
      tpu.wait_dma2 semaphore(%run_scoped3A_232 : memref<!tpu.dma_semaphore, #tpu.memory_space<semaphore_mem>>) src(%dma_wait3A_256 : memref<128x16xf32, #tpu.memory_space<vmem>>) dst(%dma_wait3A_252 : memref<128x16xf32, #tpu.memory_space<hbm>>)
      tpu.yield
    }) : () -> ()
    %add3A_207 = arith.constant 1 : i32
    %add3A_208 = arith.addi %mul3A_2, %add3A_207 : i32
    %mul3A_209 = arith.constant 128 : i32
    %mul3A_210 = arith.muli %add3A_208, %mul3A_209 : i32
    %run_scoped3A_211 = arith.constant 1 : i32
    "tpu.region"() ({
      %run_scoped3A_232 = tpu.sem_alloc : memref<!tpu.dma_semaphore, #tpu.memory_space<semaphore_mem>>
      %dma_start3A_233 = arith.constant 0 : i32
      %dma_start3A_234 = arith.constant 0 : i32
      %dma_start3A_235 = tpu.memref_slice %arg11[%run_scoped3A_211, %dma_start3A_233, %dma_start3A_234] : memref<4x128x16xf32, #tpu.memory_space<vmem>> -> memref<1x128x16xf32, #tpu.memory_space<vmem>>
      %dma_start3A_236 = tpu.memref_squeeze %dma_start3A_235 : memref<1x128x16xf32, #tpu.memory_space<vmem>> -> memref<128x16xf32, #tpu.memory_space<vmem>>
      %dma_start3A_237 = arith.constant 0 : i32
      %dma_start3A_238 = tpu.memref_slice %arg7[%mul3A_210, %dma_start3A_237] : memref<16384x16xf32, #tpu.memory_space<hbm>> -> memref<128x16xf32, #tpu.memory_space<hbm>>
      %dma_start3A_239 = arith.constant 0 : i32
      %dma_start3A_240 = tpu.memref_slice %arg7[%mul3A_210, %dma_start3A_239] : memref<16384x16xf32, #tpu.memory_space<hbm>> -> memref<128x16xf32, #tpu.memory_space<hbm>>
      %dma_start3A_241 = arith.constant 0 : i32
      %dma_start3A_242 = arith.constant 0 : i32
      %dma_start3A_243 = tpu.memref_slice %arg11[%run_scoped3A_211, %dma_start3A_241, %dma_start3A_242] : memref<4x128x16xf32, #tpu.memory_space<vmem>> -> memref<1x128x16xf32, #tpu.memory_space<vmem>>
      %dma_start3A_244 = tpu.memref_squeeze %dma_start3A_243 : memref<1x128x16xf32, #tpu.memory_space<vmem>> -> memref<128x16xf32, #tpu.memory_space<vmem>>
      tpu.enqueue_dma source(%dma_start3A_244 : memref<128x16xf32, #tpu.memory_space<vmem>>) target(%dma_start3A_240 : memref<128x16xf32, #tpu.memory_space<hbm>>) target_semaphore(%run_scoped3A_232 : memref<!tpu.dma_semaphore, #tpu.memory_space<semaphore_mem>>)
      %dma_wait3A_245 = arith.constant 0 : i32
      %dma_wait3A_246 = arith.constant 0 : i32
      %dma_wait3A_247 = tpu.memref_slice %arg11[%run_scoped3A_211, %dma_wait3A_245, %dma_wait3A_246] : memref<4x128x16xf32, #tpu.memory_space<vmem>> -> memref<1x128x16xf32, #tpu.memory_space<vmem>>
      %dma_wait3A_248 = tpu.memref_squeeze %dma_wait3A_247 : memref<1x128x16xf32, #tpu.memory_space<vmem>> -> memref<128x16xf32, #tpu.memory_space<vmem>>
      %dma_wait3A_249 = arith.constant 0 : i32
      %dma_wait3A_250 = tpu.memref_slice %arg7[%mul3A_210, %dma_wait3A_249] : memref<16384x16xf32, #tpu.memory_space<hbm>> -> memref<128x16xf32, #tpu.memory_space<hbm>>
      %dma_wait3A_251 = arith.constant 0 : i32
      %dma_wait3A_252 = tpu.memref_slice %arg7[%mul3A_210, %dma_wait3A_251] : memref<16384x16xf32, #tpu.memory_space<hbm>> -> memref<128x16xf32, #tpu.memory_space<hbm>>
      %dma_wait3A_253 = arith.constant 0 : i32
      %dma_wait3A_254 = arith.constant 0 : i32
      %dma_wait3A_255 = tpu.memref_slice %arg11[%run_scoped3A_211, %dma_wait3A_253, %dma_wait3A_254] : memref<4x128x16xf32, #tpu.memory_space<vmem>> -> memref<1x128x16xf32, #tpu.memory_space<vmem>>
      %dma_wait3A_256 = tpu.memref_squeeze %dma_wait3A_255 : memref<1x128x16xf32, #tpu.memory_space<vmem>> -> memref<128x16xf32, #tpu.memory_space<vmem>>
      tpu.wait_dma2 semaphore(%run_scoped3A_232 : memref<!tpu.dma_semaphore, #tpu.memory_space<semaphore_mem>>) src(%dma_wait3A_256 : memref<128x16xf32, #tpu.memory_space<vmem>>) dst(%dma_wait3A_252 : memref<128x16xf32, #tpu.memory_space<hbm>>)
      tpu.yield
    }) : () -> ()
    %add3A_212 = arith.constant 2 : i32
    %add3A_213 = arith.addi %mul3A_2, %add3A_212 : i32
    %mul3A_214 = arith.constant 128 : i32
    %mul3A_215 = arith.muli %add3A_213, %mul3A_214 : i32
    %run_scoped3A_216 = arith.constant 2 : i32
    "tpu.region"() ({
      %run_scoped3A_232 = tpu.sem_alloc : memref<!tpu.dma_semaphore, #tpu.memory_space<semaphore_mem>>
      %dma_start3A_233 = arith.constant 0 : i32
      %dma_start3A_234 = arith.constant 0 : i32
      %dma_start3A_235 = tpu.memref_slice %arg10[%run_scoped3A_216, %dma_start3A_233, %dma_start3A_234] : memref<4x128x16xf32, #tpu.memory_space<vmem>> -> memref<1x128x16xf32, #tpu.memory_space<vmem>>
      %dma_start3A_236 = tpu.memref_squeeze %dma_start3A_235 : memref<1x128x16xf32, #tpu.memory_space<vmem>> -> memref<128x16xf32, #tpu.memory_space<vmem>>
      %dma_start3A_237 = arith.constant 0 : i32
      %dma_start3A_238 = tpu.memref_slice %arg6[%mul3A_215, %dma_start3A_237] : memref<16384x16xf32, #tpu.memory_space<hbm>> -> memref<128x16xf32, #tpu.memory_space<hbm>>
      %dma_start3A_239 = arith.constant 0 : i32
      %dma_start3A_240 = tpu.memref_slice %arg6[%mul3A_215, %dma_start3A_239] : memref<16384x16xf32, #tpu.memory_space<hbm>> -> memref<128x16xf32, #tpu.memory_space<hbm>>
      %dma_start3A_241 = arith.constant 0 : i32
      %dma_start3A_242 = arith.constant 0 : i32
      %dma_start3A_243 = tpu.memref_slice %arg10[%run_scoped3A_216, %dma_start3A_241, %dma_start3A_242] : memref<4x128x16xf32, #tpu.memory_space<vmem>> -> memref<1x128x16xf32, #tpu.memory_space<vmem>>
      %dma_start3A_244 = tpu.memref_squeeze %dma_start3A_243 : memref<1x128x16xf32, #tpu.memory_space<vmem>> -> memref<128x16xf32, #tpu.memory_space<vmem>>
      tpu.enqueue_dma source(%dma_start3A_244 : memref<128x16xf32, #tpu.memory_space<vmem>>) target(%dma_start3A_240 : memref<128x16xf32, #tpu.memory_space<hbm>>) target_semaphore(%run_scoped3A_232 : memref<!tpu.dma_semaphore, #tpu.memory_space<semaphore_mem>>)
      %dma_wait3A_245 = arith.constant 0 : i32
      %dma_wait3A_246 = arith.constant 0 : i32
      %dma_wait3A_247 = tpu.memref_slice %arg10[%run_scoped3A_216, %dma_wait3A_245, %dma_wait3A_246] : memref<4x128x16xf32, #tpu.memory_space<vmem>> -> memref<1x128x16xf32, #tpu.memory_space<vmem>>
      %dma_wait3A_248 = tpu.memref_squeeze %dma_wait3A_247 : memref<1x128x16xf32, #tpu.memory_space<vmem>> -> memref<128x16xf32, #tpu.memory_space<vmem>>
      %dma_wait3A_249 = arith.constant 0 : i32
      %dma_wait3A_250 = tpu.memref_slice %arg6[%mul3A_215, %dma_wait3A_249] : memref<16384x16xf32, #tpu.memory_space<hbm>> -> memref<128x16xf32, #tpu.memory_space<hbm>>
      %dma_wait3A_251 = arith.constant 0 : i32
      %dma_wait3A_252 = tpu.memref_slice %arg6[%mul3A_215, %dma_wait3A_251] : memref<16384x16xf32, #tpu.memory_space<hbm>> -> memref<128x16xf32, #tpu.memory_space<hbm>>
      %dma_wait3A_253 = arith.constant 0 : i32
      %dma_wait3A_254 = arith.constant 0 : i32
      %dma_wait3A_255 = tpu.memref_slice %arg10[%run_scoped3A_216, %dma_wait3A_253, %dma_wait3A_254] : memref<4x128x16xf32, #tpu.memory_space<vmem>> -> memref<1x128x16xf32, #tpu.memory_space<vmem>>
      %dma_wait3A_256 = tpu.memref_squeeze %dma_wait3A_255 : memref<1x128x16xf32, #tpu.memory_space<vmem>> -> memref<128x16xf32, #tpu.memory_space<vmem>>
      tpu.wait_dma2 semaphore(%run_scoped3A_232 : memref<!tpu.dma_semaphore, #tpu.memory_space<semaphore_mem>>) src(%dma_wait3A_256 : memref<128x16xf32, #tpu.memory_space<vmem>>) dst(%dma_wait3A_252 : memref<128x16xf32, #tpu.memory_space<hbm>>)
      tpu.yield
    }) : () -> ()
    %add3A_217 = arith.constant 2 : i32
    %add3A_218 = arith.addi %mul3A_2, %add3A_217 : i32
    %mul3A_219 = arith.constant 128 : i32
    %mul3A_220 = arith.muli %add3A_218, %mul3A_219 : i32
    %run_scoped3A_221 = arith.constant 2 : i32
    "tpu.region"() ({
      %run_scoped3A_232 = tpu.sem_alloc : memref<!tpu.dma_semaphore, #tpu.memory_space<semaphore_mem>>
      %dma_start3A_233 = arith.constant 0 : i32
      %dma_start3A_234 = arith.constant 0 : i32
      %dma_start3A_235 = tpu.memref_slice %arg11[%run_scoped3A_221, %dma_start3A_233, %dma_start3A_234] : memref<4x128x16xf32, #tpu.memory_space<vmem>> -> memref<1x128x16xf32, #tpu.memory_space<vmem>>
      %dma_start3A_236 = tpu.memref_squeeze %dma_start3A_235 : memref<1x128x16xf32, #tpu.memory_space<vmem>> -> memref<128x16xf32, #tpu.memory_space<vmem>>
      %dma_start3A_237 = arith.constant 0 : i32
      %dma_start3A_238 = tpu.memref_slice %arg7[%mul3A_220, %dma_start3A_237] : memref<16384x16xf32, #tpu.memory_space<hbm>> -> memref<128x16xf32, #tpu.memory_space<hbm>>
      %dma_start3A_239 = arith.constant 0 : i32
      %dma_start3A_240 = tpu.memref_slice %arg7[%mul3A_220, %dma_start3A_239] : memref<16384x16xf32, #tpu.memory_space<hbm>> -> memref<128x16xf32, #tpu.memory_space<hbm>>
      %dma_start3A_241 = arith.constant 0 : i32
      %dma_start3A_242 = arith.constant 0 : i32
      %dma_start3A_243 = tpu.memref_slice %arg11[%run_scoped3A_221, %dma_start3A_241, %dma_start3A_242] : memref<4x128x16xf32, #tpu.memory_space<vmem>> -> memref<1x128x16xf32, #tpu.memory_space<vmem>>
      %dma_start3A_244 = tpu.memref_squeeze %dma_start3A_243 : memref<1x128x16xf32, #tpu.memory_space<vmem>> -> memref<128x16xf32, #tpu.memory_space<vmem>>
      tpu.enqueue_dma source(%dma_start3A_244 : memref<128x16xf32, #tpu.memory_space<vmem>>) target(%dma_start3A_240 : memref<128x16xf32, #tpu.memory_space<hbm>>) target_semaphore(%run_scoped3A_232 : memref<!tpu.dma_semaphore, #tpu.memory_space<semaphore_mem>>)
      %dma_wait3A_245 = arith.constant 0 : i32
      %dma_wait3A_246 = arith.constant 0 : i32
      %dma_wait3A_247 = tpu.memref_slice %arg11[%run_scoped3A_221, %dma_wait3A_245, %dma_wait3A_246] : memref<4x128x16xf32, #tpu.memory_space<vmem>> -> memref<1x128x16xf32, #tpu.memory_space<vmem>>
      %dma_wait3A_248 = tpu.memref_squeeze %dma_wait3A_247 : memref<1x128x16xf32, #tpu.memory_space<vmem>> -> memref<128x16xf32, #tpu.memory_space<vmem>>
      %dma_wait3A_249 = arith.constant 0 : i32
      %dma_wait3A_250 = tpu.memref_slice %arg7[%mul3A_220, %dma_wait3A_249] : memref<16384x16xf32, #tpu.memory_space<hbm>> -> memref<128x16xf32, #tpu.memory_space<hbm>>
      %dma_wait3A_251 = arith.constant 0 : i32
      %dma_wait3A_252 = tpu.memref_slice %arg7[%mul3A_220, %dma_wait3A_251] : memref<16384x16xf32, #tpu.memory_space<hbm>> -> memref<128x16xf32, #tpu.memory_space<hbm>>
      %dma_wait3A_253 = arith.constant 0 : i32
      %dma_wait3A_254 = arith.constant 0 : i32
      %dma_wait3A_255 = tpu.memref_slice %arg11[%run_scoped3A_221, %dma_wait3A_253, %dma_wait3A_254] : memref<4x128x16xf32, #tpu.memory_space<vmem>> -> memref<1x128x16xf32, #tpu.memory_space<vmem>>
      %dma_wait3A_256 = tpu.memref_squeeze %dma_wait3A_255 : memref<1x128x16xf32, #tpu.memory_space<vmem>> -> memref<128x16xf32, #tpu.memory_space<vmem>>
      tpu.wait_dma2 semaphore(%run_scoped3A_232 : memref<!tpu.dma_semaphore, #tpu.memory_space<semaphore_mem>>) src(%dma_wait3A_256 : memref<128x16xf32, #tpu.memory_space<vmem>>) dst(%dma_wait3A_252 : memref<128x16xf32, #tpu.memory_space<hbm>>)
      tpu.yield
    }) : () -> ()
    %add3A_222 = arith.constant 3 : i32
    %add3A_223 = arith.addi %mul3A_2, %add3A_222 : i32
    %mul3A_224 = arith.constant 128 : i32
    %mul3A_225 = arith.muli %add3A_223, %mul3A_224 : i32
    %run_scoped3A_226 = arith.constant 3 : i32
    "tpu.region"() ({
      %run_scoped3A_232 = tpu.sem_alloc : memref<!tpu.dma_semaphore, #tpu.memory_space<semaphore_mem>>
      %dma_start3A_233 = arith.constant 0 : i32
      %dma_start3A_234 = arith.constant 0 : i32
      %dma_start3A_235 = tpu.memref_slice %arg10[%run_scoped3A_226, %dma_start3A_233, %dma_start3A_234] : memref<4x128x16xf32, #tpu.memory_space<vmem>> -> memref<1x128x16xf32, #tpu.memory_space<vmem>>
      %dma_start3A_236 = tpu.memref_squeeze %dma_start3A_235 : memref<1x128x16xf32, #tpu.memory_space<vmem>> -> memref<128x16xf32, #tpu.memory_space<vmem>>
      %dma_start3A_237 = arith.constant 0 : i32
      %dma_start3A_238 = tpu.memref_slice %arg6[%mul3A_225, %dma_start3A_237] : memref<16384x16xf32, #tpu.memory_space<hbm>> -> memref<128x16xf32, #tpu.memory_space<hbm>>
      %dma_start3A_239 = arith.constant 0 : i32
      %dma_start3A_240 = tpu.memref_slice %arg6[%mul3A_225, %dma_start3A_239] : memref<16384x16xf32, #tpu.memory_space<hbm>> -> memref<128x16xf32, #tpu.memory_space<hbm>>
      %dma_start3A_241 = arith.constant 0 : i32
      %dma_start3A_242 = arith.constant 0 : i32
      %dma_start3A_243 = tpu.memref_slice %arg10[%run_scoped3A_226, %dma_start3A_241, %dma_start3A_242] : memref<4x128x16xf32, #tpu.memory_space<vmem>> -> memref<1x128x16xf32, #tpu.memory_space<vmem>>
      %dma_start3A_244 = tpu.memref_squeeze %dma_start3A_243 : memref<1x128x16xf32, #tpu.memory_space<vmem>> -> memref<128x16xf32, #tpu.memory_space<vmem>>
      tpu.enqueue_dma source(%dma_start3A_244 : memref<128x16xf32, #tpu.memory_space<vmem>>) target(%dma_start3A_240 : memref<128x16xf32, #tpu.memory_space<hbm>>) target_semaphore(%run_scoped3A_232 : memref<!tpu.dma_semaphore, #tpu.memory_space<semaphore_mem>>)
      %dma_wait3A_245 = arith.constant 0 : i32
      %dma_wait3A_246 = arith.constant 0 : i32
      %dma_wait3A_247 = tpu.memref_slice %arg10[%run_scoped3A_226, %dma_wait3A_245, %dma_wait3A_246] : memref<4x128x16xf32, #tpu.memory_space<vmem>> -> memref<1x128x16xf32, #tpu.memory_space<vmem>>
      %dma_wait3A_248 = tpu.memref_squeeze %dma_wait3A_247 : memref<1x128x16xf32, #tpu.memory_space<vmem>> -> memref<128x16xf32, #tpu.memory_space<vmem>>
      %dma_wait3A_249 = arith.constant 0 : i32
      %dma_wait3A_250 = tpu.memref_slice %arg6[%mul3A_225, %dma_wait3A_249] : memref<16384x16xf32, #tpu.memory_space<hbm>> -> memref<128x16xf32, #tpu.memory_space<hbm>>
      %dma_wait3A_251 = arith.constant 0 : i32
      %dma_wait3A_252 = tpu.memref_slice %arg6[%mul3A_225, %dma_wait3A_251] : memref<16384x16xf32, #tpu.memory_space<hbm>> -> memref<128x16xf32, #tpu.memory_space<hbm>>
      %dma_wait3A_253 = arith.constant 0 : i32
      %dma_wait3A_254 = arith.constant 0 : i32
      %dma_wait3A_255 = tpu.memref_slice %arg10[%run_scoped3A_226, %dma_wait3A_253, %dma_wait3A_254] : memref<4x128x16xf32, #tpu.memory_space<vmem>> -> memref<1x128x16xf32, #tpu.memory_space<vmem>>
      %dma_wait3A_256 = tpu.memref_squeeze %dma_wait3A_255 : memref<1x128x16xf32, #tpu.memory_space<vmem>> -> memref<128x16xf32, #tpu.memory_space<vmem>>
      tpu.wait_dma2 semaphore(%run_scoped3A_232 : memref<!tpu.dma_semaphore, #tpu.memory_space<semaphore_mem>>) src(%dma_wait3A_256 : memref<128x16xf32, #tpu.memory_space<vmem>>) dst(%dma_wait3A_252 : memref<128x16xf32, #tpu.memory_space<hbm>>)
      tpu.yield
    }) : () -> ()
    %add3A_227 = arith.constant 3 : i32
    %add3A_228 = arith.addi %mul3A_2, %add3A_227 : i32
    %mul3A_229 = arith.constant 128 : i32
    %mul3A_230 = arith.muli %add3A_228, %mul3A_229 : i32
    %run_scoped3A_231 = arith.constant 3 : i32
    "tpu.region"() ({
      %run_scoped3A_232 = tpu.sem_alloc : memref<!tpu.dma_semaphore, #tpu.memory_space<semaphore_mem>>
      %dma_start3A_233 = arith.constant 0 : i32
      %dma_start3A_234 = arith.constant 0 : i32
      %dma_start3A_235 = tpu.memref_slice %arg11[%run_scoped3A_231, %dma_start3A_233, %dma_start3A_234] : memref<4x128x16xf32, #tpu.memory_space<vmem>> -> memref<1x128x16xf32, #tpu.memory_space<vmem>>
      %dma_start3A_236 = tpu.memref_squeeze %dma_start3A_235 : memref<1x128x16xf32, #tpu.memory_space<vmem>> -> memref<128x16xf32, #tpu.memory_space<vmem>>
      %dma_start3A_237 = arith.constant 0 : i32
      %dma_start3A_238 = tpu.memref_slice %arg7[%mul3A_230, %dma_start3A_237] : memref<16384x16xf32, #tpu.memory_space<hbm>> -> memref<128x16xf32, #tpu.memory_space<hbm>>
      %dma_start3A_239 = arith.constant 0 : i32
      %dma_start3A_240 = tpu.memref_slice %arg7[%mul3A_230, %dma_start3A_239] : memref<16384x16xf32, #tpu.memory_space<hbm>> -> memref<128x16xf32, #tpu.memory_space<hbm>>
      %dma_start3A_241 = arith.constant 0 : i32
      %dma_start3A_242 = arith.constant 0 : i32
      %dma_start3A_243 = tpu.memref_slice %arg11[%run_scoped3A_231, %dma_start3A_241, %dma_start3A_242] : memref<4x128x16xf32, #tpu.memory_space<vmem>> -> memref<1x128x16xf32, #tpu.memory_space<vmem>>
      %dma_start3A_244 = tpu.memref_squeeze %dma_start3A_243 : memref<1x128x16xf32, #tpu.memory_space<vmem>> -> memref<128x16xf32, #tpu.memory_space<vmem>>
      tpu.enqueue_dma source(%dma_start3A_244 : memref<128x16xf32, #tpu.memory_space<vmem>>) target(%dma_start3A_240 : memref<128x16xf32, #tpu.memory_space<hbm>>) target_semaphore(%run_scoped3A_232 : memref<!tpu.dma_semaphore, #tpu.memory_space<semaphore_mem>>)
      %dma_wait3A_245 = arith.constant 0 : i32
      %dma_wait3A_246 = arith.constant 0 : i32
      %dma_wait3A_247 = tpu.memref_slice %arg11[%run_scoped3A_231, %dma_wait3A_245, %dma_wait3A_246] : memref<4x128x16xf32, #tpu.memory_space<vmem>> -> memref<1x128x16xf32, #tpu.memory_space<vmem>>
      %dma_wait3A_248 = tpu.memref_squeeze %dma_wait3A_247 : memref<1x128x16xf32, #tpu.memory_space<vmem>> -> memref<128x16xf32, #tpu.memory_space<vmem>>
      %dma_wait3A_249 = arith.constant 0 : i32
      %dma_wait3A_250 = tpu.memref_slice %arg7[%mul3A_230, %dma_wait3A_249] : memref<16384x16xf32, #tpu.memory_space<hbm>> -> memref<128x16xf32, #tpu.memory_space<hbm>>
      %dma_wait3A_251 = arith.constant 0 : i32
      %dma_wait3A_252 = tpu.memref_slice %arg7[%mul3A_230, %dma_wait3A_251] : memref<16384x16xf32, #tpu.memory_space<hbm>> -> memref<128x16xf32, #tpu.memory_space<hbm>>
      %dma_wait3A_253 = arith.constant 0 : i32
      %dma_wait3A_254 = arith.constant 0 : i32
      %dma_wait3A_255 = tpu.memref_slice %arg11[%run_scoped3A_231, %dma_wait3A_253, %dma_wait3A_254] : memref<4x128x16xf32, #tpu.memory_space<vmem>> -> memref<1x128x16xf32, #tpu.memory_space<vmem>>
      %dma_wait3A_256 = tpu.memref_squeeze %dma_wait3A_255 : memref<1x128x16xf32, #tpu.memory_space<vmem>> -> memref<128x16xf32, #tpu.memory_space<vmem>>
      tpu.wait_dma2 semaphore(%run_scoped3A_232 : memref<!tpu.dma_semaphore, #tpu.memory_space<semaphore_mem>>) src(%dma_wait3A_256 : memref<128x16xf32, #tpu.memory_space<vmem>>) dst(%dma_wait3A_252 : memref<128x16xf32, #tpu.memory_space<hbm>>)
      tpu.yield
    }) : () -> ()
    return
  }
}

module attributes {stable_mosaic.version = 14 : i64} {
  func.func @_tc_dense_body(%arg0: i32, %arg1: memref<4096x16xf32, #tpu.memory_space<vmem>>, %arg2: memref<4096x16xf32, #tpu.memory_space<vmem>>, %arg3: memref<10x128xf32, #tpu.memory_space<vmem>>, %arg4: memref<128xf32, #tpu.memory_space<vmem>>, %arg5: memref<128x64xf32, #tpu.memory_space<vmem>>, %arg6: memref<64xf32, #tpu.memory_space<vmem>>, %arg7: memref<64x1xf32, #tpu.memory_space<vmem>>, %arg8: memref<1x1xf32, #tpu.memory_space<vmem>>, %arg9: memref<4096x1xf32, #tpu.memory_space<vmem>>) attributes {dimension_semantics = [#tpu.dimension_semantics<arbitrary>], iteration_bounds = array<i64: 4>, scalar_prefetch = 0 : i64, scratch_operands = 0 : i64, tpu.core_type = #tpu.core_type<tc>, window_params = [{transform_indices = @transform_0, window_bounds = array<i64: 4096, 16>}, {transform_indices = @transform_1, window_bounds = array<i64: 4096, 16>}, {pipeline_mode = #tpu.pipeline_mode<synchronous>, transform_indices = @transform_2, window_bounds = array<i64: 10, 128>}, {pipeline_mode = #tpu.pipeline_mode<synchronous>, transform_indices = @transform_3, window_bounds = array<i64: 128>}, {pipeline_mode = #tpu.pipeline_mode<synchronous>, transform_indices = @transform_4, window_bounds = array<i64: 128, 64>}, {pipeline_mode = #tpu.pipeline_mode<synchronous>, transform_indices = @transform_5, window_bounds = array<i64: 64>}, {pipeline_mode = #tpu.pipeline_mode<synchronous>, transform_indices = @transform_6, window_bounds = array<i64: 64, 1>}, {pipeline_mode = #tpu.pipeline_mode<synchronous>, transform_indices = @transform_7, window_bounds = array<i64: 1, 1>}, {transform_indices = @transform_8, window_bounds = array<i64: 4096, 1>}]} {
    %get3A = arith.constant 0 : index
    %get3A_0 = arith.constant 0 : index
    %get3A_1 = vector.load %arg1[%get3A, %get3A_0] : memref<4096x16xf32, #tpu.memory_space<vmem>>, vector<4096x10xf32>
    %get3A_2 = arith.constant 0 : index
    %get3A_3 = arith.constant 0 : index
    %get3A_4 = vector.load %arg2[%get3A_2, %get3A_3] : memref<4096x16xf32, #tpu.memory_space<vmem>>, vector<4096x10xf32>
    %get3A_5 = arith.constant 0 : index
    %get3A_6 = arith.constant 10 : index
    %get3A_7 = vector.load %arg1[%get3A_5, %get3A_6] : memref<4096x16xf32, #tpu.memory_space<vmem>>, vector<4096x1xf32>
    %get3A_8 = arith.constant 0 : index
    %get3A_9 = arith.constant 10 : index
    %get3A_10 = vector.load %arg2[%get3A_8, %get3A_9] : memref<4096x16xf32, #tpu.memory_space<vmem>>, vector<4096x1xf32>
    %mul3A = arith.mulf %get3A_1, %get3A_1 : vector<4096x10xf32>
    %reduce_sum3A = arith.constant dense<0.000000e+00> : vector<4096xf32>
    %reduce_sum3A_11 = vector.multi_reduction <add>, %mul3A, %reduce_sum3A [1] : vector<4096x10xf32> to vector<4096xf32>
    %broadcast_in_dim3A = vector.shape_cast %reduce_sum3A_11 : vector<4096xf32> to vector<4096x1xf32>
    %sqrt3A = math.sqrt %broadcast_in_dim3A : vector<4096x1xf32>
    %mul3A_12 = arith.mulf %get3A_4, %get3A_4 : vector<4096x10xf32>
    %reduce_sum3A_13 = arith.constant dense<0.000000e+00> : vector<4096xf32>
    %reduce_sum3A_14 = vector.multi_reduction <add>, %mul3A_12, %reduce_sum3A_13 [1] : vector<4096x10xf32> to vector<4096xf32>
    %broadcast_in_dim3A_15 = vector.shape_cast %reduce_sum3A_14 : vector<4096xf32> to vector<4096x1xf32>
    %sqrt3A_16 = math.sqrt %broadcast_in_dim3A_15 : vector<4096x1xf32>
    %max3A = arith.constant 1.000000e-07 : f32
    %max3A_17 = vector.broadcast %max3A : f32 to vector<4096x1xf32>
    %max3A_18 = arith.maximumf %sqrt3A, %max3A_17 : vector<4096x1xf32>
    %div3A = arith.constant 1.000000e+00 : f32
    %div3A_19 = vector.broadcast %div3A : f32 to vector<4096x1xf32>
    %div3A_20 = arith.divf %div3A_19, %max3A_18 : vector<4096x1xf32>
    %min3A = arith.constant 1.000000e+00 : f32
    %min3A_21 = vector.broadcast %min3A : f32 to vector<4096x1xf32>
    %min3A_22 = arith.minimumf %min3A_21, %div3A_20 : vector<4096x1xf32>
    %max3A_23 = arith.constant 1.000000e-07 : f32
    %max3A_24 = vector.broadcast %max3A_23 : f32 to vector<4096x1xf32>
    %max3A_25 = arith.maximumf %sqrt3A_16, %max3A_24 : vector<4096x1xf32>
    %div3A_26 = arith.constant 1.000000e+00 : f32
    %div3A_27 = vector.broadcast %div3A_26 : f32 to vector<4096x1xf32>
    %div3A_28 = arith.divf %div3A_27, %max3A_25 : vector<4096x1xf32>
    %min3A_29 = arith.constant 1.000000e+00 : f32
    %min3A_30 = vector.broadcast %min3A_29 : f32 to vector<4096x1xf32>
    %min3A_31 = arith.minimumf %min3A_30, %div3A_28 : vector<4096x1xf32>
    %mul3A_32 = vector.broadcast %min3A_22 : vector<4096x1xf32> to vector<4096x10xf32>
    %mul3A_33 = arith.mulf %get3A_1, %mul3A_32 : vector<4096x10xf32>
    %mul3A_34 = vector.broadcast %min3A_31 : vector<4096x1xf32> to vector<4096x10xf32>
    %mul3A_35 = arith.mulf %get3A_4, %mul3A_34 : vector<4096x10xf32>
    %mul3A_36 = arith.mulf %mul3A_33, %mul3A_35 : vector<4096x10xf32>
    %get3A_37 = arith.constant 0 : index
    %get3A_38 = arith.constant 0 : index
    %get3A_39 = vector.load %arg3[%get3A_37, %get3A_38] : memref<10x128xf32, #tpu.memory_space<vmem>>, vector<10x128xf32>
    %dot_general3A = arith.constant dense<0.000000e+00> : vector<4096x128xf32>
    %dot_general3A_40 = tpu.matmul %mul3A_36, %get3A_39, %dot_general3A {dimension_numbers = #tpu.dot_dimension_numbers<[1], [0], [0], [1], [0, 0, 1, 1], [], []>, transpose_lhs_hint = false} : vector<4096x10xf32>, vector<10x128xf32>, vector<4096x128xf32> -> vector<4096x128xf32>
    %get3A_41 = arith.constant 0 : index
    %get3A_42 = vector.load %arg4[%get3A_41] : memref<128xf32, #tpu.memory_space<vmem>>, vector<128xf32>
    %broadcast_in_dim3A_43 = vector.shape_cast %get3A_42 : vector<128xf32> to vector<1x128xf32>
    %add3A = vector.broadcast %broadcast_in_dim3A_43 : vector<1x128xf32> to vector<4096x128xf32>
    %add3A_44 = arith.addf %dot_general3A_40, %add3A : vector<4096x128xf32>
    %get3A_45 = arith.constant 0 : index
    %get3A_46 = arith.constant 0 : index
    %get3A_47 = vector.load %arg5[%get3A_45, %get3A_46] : memref<128x64xf32, #tpu.memory_space<vmem>>, vector<128x64xf32>
    %dot_general3A_48 = arith.constant dense<0.000000e+00> : vector<4096x64xf32>
    %dot_general3A_49 = tpu.matmul %add3A_44, %get3A_47, %dot_general3A_48 {dimension_numbers = #tpu.dot_dimension_numbers<[1], [0], [0], [1], [0, 0, 1, 1], [], []>, transpose_lhs_hint = false} : vector<4096x128xf32>, vector<128x64xf32>, vector<4096x64xf32> -> vector<4096x64xf32>
    %get3A_50 = arith.constant 0 : index
    %get3A_51 = vector.load %arg6[%get3A_50] : memref<64xf32, #tpu.memory_space<vmem>>, vector<64xf32>
    %broadcast_in_dim3A_52 = vector.shape_cast %get3A_51 : vector<64xf32> to vector<1x64xf32>
    %add3A_53 = vector.broadcast %broadcast_in_dim3A_52 : vector<1x64xf32> to vector<4096x64xf32>
    %add3A_54 = arith.addf %dot_general3A_49, %add3A_53 : vector<4096x64xf32>
    %logistic3A = arith.negf %add3A_54 : vector<4096x64xf32>
    %logistic3A_55 = math.exp %logistic3A : vector<4096x64xf32>
    %logistic3A_56 = arith.constant 1.000000e+00 : f32
    %logistic3A_57 = vector.broadcast %logistic3A_56 : f32 to vector<4096x64xf32>
    %logistic3A_58 = arith.addf %logistic3A_57, %logistic3A_55 : vector<4096x64xf32>
    %logistic3A_59 = arith.divf %logistic3A_57, %logistic3A_58 : vector<4096x64xf32>
    %get3A_60 = arith.constant 0 : index
    %get3A_61 = arith.constant 0 : index
    %get3A_62 = vector.load %arg7[%get3A_60, %get3A_61] : memref<64x1xf32, #tpu.memory_space<vmem>>, vector<64x1xf32>
    %dot_general3A_63 = arith.constant dense<0.000000e+00> : vector<4096x1xf32>
    %dot_general3A_64 = tpu.matmul %logistic3A_59, %get3A_62, %dot_general3A_63 {dimension_numbers = #tpu.dot_dimension_numbers<[1], [0], [0], [1], [0, 0, 1, 1], [], []>, transpose_lhs_hint = false} : vector<4096x64xf32>, vector<64x1xf32>, vector<4096x1xf32> -> vector<4096x1xf32>
    %get3A_65 = arith.constant 0 : index
    %get3A_66 = arith.constant 0 : index
    %get3A_67 = vector.load %arg8[%get3A_65, %get3A_66] : memref<1x1xf32, #tpu.memory_space<vmem>>, vector<1x1xf32>
    %get3A_68 = vector.extract %get3A_67[0, 0] : f32 from vector<1x1xf32>
    %add3A_69 = vector.broadcast %get3A_68 : f32 to vector<4096x1xf32>
    %add3A_70 = arith.addf %dot_general3A_64, %add3A_69 : vector<4096x1xf32>
    %add3A_71 = arith.addf %add3A_70, %get3A_7 : vector<4096x1xf32>
    %add3A_72 = arith.addf %add3A_71, %get3A_10 : vector<4096x1xf32>
    %swap3A = arith.constant 0 : index
    %swap3A_73 = arith.constant 0 : index
    %swap3A_74 = vector.load %arg9[%swap3A, %swap3A_73] : memref<4096x1xf32, #tpu.memory_space<vmem>>, vector<4096x1xf32>
    tpu.vector_store %arg9[%swap3A, %swap3A_73], %add3A_72 {strides = array<i32>} : memref<4096x1xf32, #tpu.memory_space<vmem>>, vector<4096x1xf32>,
    return
  }
  func.func @transform_0(%arg0: i32) -> (i32, i32) {
    %c0_i32 = arith.constant 0 : i32
    %c0_i32_0 = arith.constant 0 : i32
    return %arg0, %c0_i32 : i32, i32
  }
  func.func @transform_1(%arg0: i32) -> (i32, i32) {
    %c0_i32 = arith.constant 0 : i32
    %c0_i32_0 = arith.constant 0 : i32
    return %arg0, %c0_i32 : i32, i32
  }
  func.func @transform_2(%arg0: i32) -> (i32, i32) {
    %c0_i32 = arith.constant 0 : i32
    %c0_i32_0 = arith.constant 0 : i32
    %c0_i32_1 = arith.constant 0 : i32
    return %c0_i32, %c0_i32_0 : i32, i32
  }
  func.func @transform_3(%arg0: i32) -> i32 {
    %c0_i32 = arith.constant 0 : i32
    %c0_i32_0 = arith.constant 0 : i32
    return %c0_i32 : i32
  }
  func.func @transform_4(%arg0: i32) -> (i32, i32) {
    %c0_i32 = arith.constant 0 : i32
    %c0_i32_0 = arith.constant 0 : i32
    %c0_i32_1 = arith.constant 0 : i32
    return %c0_i32, %c0_i32_0 : i32, i32
  }
  func.func @transform_5(%arg0: i32) -> i32 {
    %c0_i32 = arith.constant 0 : i32
    %c0_i32_0 = arith.constant 0 : i32
    return %c0_i32 : i32
  }
  func.func @transform_6(%arg0: i32) -> (i32, i32) {
    %c0_i32 = arith.constant 0 : i32
    %c0_i32_0 = arith.constant 0 : i32
    %c0_i32_1 = arith.constant 0 : i32
    return %c0_i32, %c0_i32_0 : i32, i32
  }
  func.func @transform_7(%arg0: i32) -> (i32, i32) {
    %c0_i32 = arith.constant 0 : i32
    %c0_i32_0 = arith.constant 0 : i32
    %c0_i32_1 = arith.constant 0 : i32
    return %c0_i32, %c0_i32_0 : i32, i32
  }
  func.func @transform_8(%arg0: i32) -> (i32, i32) {
    %c0_i32 = arith.constant 0 : i32
    %c0_i32_0 = arith.constant 0 : i32
    return %arg0, %c0_i32 : i32, i32
  }
}

</mosaic_0001>

<sc_bundles>
// kernel: kernel.4.cloned.1.call-start
scs
__scs_entry_jumppad:
0x0: {  	(pc) =	sbr.rel $0x88, $3  }
0x1: {  	(tag) =	ssettag $0x0;
	lr =	simm.s32 $0x1  }
0x2: {  	[smem:$0x3F95] =	sst lr;
	_ =	strace $0xD0000000  }
0x3: {  	_ = 	snop  }
0x4: {  	_ = 	snop  }
0x5: {  	_ = 	snop  }
0x6: {  	_ = 	snop  }
0x7: {  	_ = 	snop  }
__scs_overlays_trampoline_lowered:
0x8: {  	[smem:$0x3FA4] =	sst s0  }
0x9: {  	[smem:$0x3FA5] =	sst s1  }
0xa: {  	[smem:$0x3FA6] =	sst s2  }
0xb: {  	[smem:$0x3FA7] =	sst s3  }
0xc: {  	[smem:$0x3FA8] =	sst s4  }
0xd: {  	[smem:$0x3FA9] =	sst s5  }
0xe: {  	[smem:$0x3FAA] =	sst s6  }
0xf: {  	[smem:$0x3FAB] =	sst s7  }
0x10: {  	[smem:$0x3FAC] =	sst s8  }
0x11: {  	[smem:$0x3FAD] =	sst s9;
	s0 =	simm.s32 @!p0 $0x0  }
0x12: {  	s1 =	sld [smem:$0x3F93];
	s0 =	simm.s32 @p0 $0x1  }
0x13: {  	[smem:$0x3FAE] =	sst s0;
	s0 =	simm.s32 @!p1 $0x0  }
0x14: {  	s2 =	sld [smem:$0x3F92];
	s0 =	simm.s32 @p1 $0x1  }
0x15: {  	[smem:$0x3FAF] =	sst s0;
	s0 =	simm.s32 @!p2 $0x0  }
0x16: {  	s3 =	sld [smem:$0x3FDB];
	s0 =	simm.s32 @p2 $0x1  }
0x17: {  	s4 =	simm.s32 $0x1BF5;
	[smem:$0x3FB1] =	sst s0  }
0x18: {  	s0 =	sld [smem:$0x3F94];
	_ =	swait.ge [sflag:s4], $0x0  }
0x19: {  	s7 =	sld [smem:$0x3F95]  }
0x1a: {  	s8 =	sadd.s32 $0xFFFFE003, lr  }
0x1b: {  	s9 =	sadd.s32 $0xFFFFFEF7, lr;
	s5 =	simm.s32 $0xFFFFFFFF;
	p2 =	slt.u32 s8, $0xFFFFF086  }
0x1c: {  	p1 =	slt.u32 s9, $0xF7A;
	s5 =	simm.s32 @!p2 $0x0  }
0x1d: {  	s5 =	simm.s32 @p1 $0x1;
	p0 =	seq.s32 s7, s2  }
0x1e: {  	s7 =	smul.u32 @!p0 $0xF7A, s2;
	p2 =	seq.s32 @!p0 s5, $0x0  }
0x1f: {  	s9 =	smul.u32 $0xF7A, s1;
	s8 =	simm.s32 @!p0 $0x1BF5;
	p2 =	por !p2, p0  }
0x20: {  	[sflag:s8] =	ssyncset.s32 @!p0 $0xFFFFF086;
	s6 =	sadd.s32 @!p0 s3, s7;
	s7 =	simm.s32 @!p0 $0x108  }
0x21: {  	s3 =	sadd.s32 s3, s9;
	s6 =	sadd.s32 @!p0 $0x88, s6;
	s7 =	simm.s32 @p2 $0x1082  }
0x22: {  	[simem:s7], [sflag:s8] =	dma.local @!p0 [hbm:s6], $0xF7A  }
0x23: {  	s9 =	sor.u32 $0xD0000000, s2;
	s6 =	simm.s32 $0x108;
	_ =	swait.ge @!p0 [sflag:s8], $0x0  }
0x24: {  	s3 =	sadd.s32 $0x88, s3;
	s6 =	simm.s32 @!p1 $0x1082;
	[sflag:s4] =	ssyncset.s32 $0xFFFFF086  }
0x25: {  	[simem:s6], [sflag:s4] =	dma.local [hbm:s3], $0xF7A  }
0x26: {  	[smem:$0x3F95] =	sst s1;
	(tag) =	ssettag s2;
	_ =	strace s9  }
0x27: {  	s1 =	sld [smem:$0x3FA5]  }
0x28: {  	s2 =	sld [smem:$0x3FA6]  }
0x29: {  	s4 =	sld [smem:$0x3FA8]  }
0x2a: {  	p0 =	seq.s32 s5, $0x0;
	s5 =	sld [smem:$0x3FA9]  }
0x2b: {  	s6 =	sld [smem:$0x3FAA]  }
0x2c: {  	s7 =	sld [smem:$0x3FAB]  }
0x2d: {  	s3 =	simm.s32 $0x108;
	s8 =	sld [smem:$0x3FAC]  }
0x2e: {  	s3 =	simm.s32 @!p0 $0x1082;
	s9 =	sld [smem:$0x3FAD]  }
0x2f: {  	lr =	sadd.s32 s0, s3;
	s0 =	sld [smem:$0x3FA4]  }
0x30: {  	s3 =	sld [smem:$0x3FA7]  }
0x31: {  	[smem:$0x3FB0] =	sst s10  }
0x32: {  	s10 =	sld [smem:$0x3FAE];
	_ =	sdelay $0x3  }
0x33: {  	p0 =	seq.s32 s10, $0x1;
	s10 =	sld [smem:$0x3FB0];
	_ =	sdelay $0x3  }
0x34: {  	[smem:$0x3FB0] =	sst s10  }
0x35: {  	s10 =	sld [smem:$0x3FAF];
	_ =	sdelay $0x3  }
0x36: {  	p1 =	seq.s32 s10, $0x1;
	s10 =	sld [smem:$0x3FB0];
	_ =	sdelay $0x3  }
0x37: {  	[smem:$0x3FB0] =	sst s10  }
0x38: {  	s10 =	sld [smem:$0x3FB1]  }
0x39: {  	_ = 	snop;
	(pc) =	sbr.ind lr, $3  }
0x3a: {  	_ = 	snop  }
0x3b: {  	_ = 	snop  }
0x3c: {  	p2 =	seq.s32 s10, $0x1;
	s10 =	sld [smem:$0x3FB0]  }
0x3d: {  	_ =	shalt  }
0x3e: {  	_ =	shalt  }
0x3f: {  	_ =	shalt  }
0x40: {  	_ =	shalt  }
0x41: {  	_ =	shalt  }
0x42: {  	_ =	shalt  }
0x43: {  	_ =	shalt  }
0x44: {  	_ =	shalt  }
0x45: {  	_ =	shalt  }
0x46: {  	_ =	shalt  }
0x47: {  	_ =	shalt  }
0x48: {  	_ =	shalt  }
0x49: {  	_ =	shalt  }
0x4a: {  	_ =	shalt  }
0x4b: {  	_ =	shalt  }
0x4c: {  	_ =	shalt  }
0x4d: {  	_ =	shalt  }
0x4e: {  	_ =	shalt  }
0x4f: {  	_ =	shalt  }
0x50: {  	_ =	shalt  }
0x51: {  	_ =	shalt  }
0x52: {  	_ =	shalt  }
0x53: {  	_ =	shalt  }
0x54: {  	_ =	shalt  }
0x55: {  	_ =	shalt  }
0x56: {  	_ =	shalt  }
0x57: {  	_ =	shalt  }
0x58: {  	_ =	shalt  }
0x59: {  	_ =	shalt  }
0x5a: {  	_ =	shalt  }
0x5b: {  	_ =	shalt  }
0x5c: {  	_ =	shalt  }
0x5d: {  	_ =	shalt  }
0x5e: {  	_ =	shalt  }
0x5f: {  	_ =	shalt  }
0x60: {  	_ =	shalt  }
0x61: {  	_ =	shalt  }
0x62: {  	_ =	shalt  }
0x63: {  	_ =	shalt  }
0x64: {  	_ =	shalt  }
0x65: {  	_ =	shalt  }
0x66: {  	_ =	shalt  }
0x67: {  	_ =	shalt  }
0x68: {  	_ =	shalt  }
0x69: {  	_ =	shalt  }
0x6a: {  	_ =	shalt  }
0x6b: {  	_ =	shalt  }
0x6c: {  	_ =	shalt  }
0x6d: {  	_ =	shalt  }
0x6e: {  	_ =	shalt  }
0x6f: {  	_ =	shalt  }
0x70: {  	_ =	shalt  }
0x71: {  	_ =	shalt  }
0x72: {  	_ =	shalt  }
0x73: {  	_ =	shalt  }
0x74: {  	_ =	shalt  }
0x75: {  	_ =	shalt  }
0x76: {  	_ =	shalt  }
0x77: {  	_ =	shalt  }
0x78: {  	_ =	shalt  }
0x79: {  	_ =	shalt  }
0x7a: {  	_ =	shalt  }
0x7b: {  	_ =	shalt  }
0x7c: {  	_ =	shalt  }
0x7d: {  	_ =	shalt  }
0x7e: {  	_ =	shalt  }
0x7f: {  	_ =	shalt  }
0x80: {  	_ =	shalt  }
0x81: {  	_ =	shalt  }
0x82: {  	_ =	shalt  }
0x83: {  	_ =	shalt  }
0x84: {  	_ =	shalt  }
0x85: {  	_ =	shalt  }
0x86: {  	_ =	shalt  }
0x87: {  	_ =	shalt  }
.Lfunc_end0:
.L_simem_size_0:
called_computation_lowered:
.L_overlay_start_0:
0x88: {  	s2 =	sld [smem:$0x3FD9]  }
0x89: {  	s3 =	sld [smem:$0x3FFE];
	_ =	sdelay $0x1  }
0x8a: {  	s1 =	srdreg.scid  }
0x8b: {  	s0 =	sand.u32 $0x1, s1  }
0x8c: {  	s17 =	sshll.u32 s0, $0xA;
	s2 =	sadd.s32 s3, s2  }
0x8d: {  	s2 =	sadd.s32 s2, s17  }
0x8e: {  	[smem:$0x3FBC] =	sst s2  }
0x8f: {  	_ = 	snop  }
0x90: {  	s2 =	sld [smem:$0x3FC9]  }
0x91: {  	s18 =	sld [smem:$0x3FC8];
	(tm) =	ssettm $0x1  }
0x92: {  	s4 =	sld [smem:$0x3FFB];
	_ =	sdelay $0x3  }
0x93: {  	_ =	strace s4  }
0x94: {  	s4 =	sld [smem:$0x3FFC];
	_ =	sdelay $0x3  }
0x95: {  	_ =	strace s4  }
0x96: {  	s4 =	sld [smem:$0x3FFD];
	_ =	sdelay $0x3  }
0x97: {  	_ =	strace s4  }
0x98: {  	_ =	strace $0x8FFFFFFF  }
0x99: {  	s19 =	sld [smem:$0x3FDB];
	_ =	sdelay $0x1  }
0x9a: {  	s5 =	simm.s32 $_scs_section_size  }
0x9b: {  	s6 =	simm.s32 $_size__tile_overlayer_lowered;
	s7 =	simm.s32 $_tile_overlayer_lowered  }
0x9c: {  	s22 =	simm.s32 $0x1BFF;
	s21 =	sshll.u32 s7, $0x1;
	s4 =	sadd.s32 s5, s19  }
0x9d: {  	s8 =	simm.s32 $0x0;
	s20 =	sshll.u32 s6, $0x1;
	s6 =	sadd.s32 s21, s4  }
0x9e: {  	[timem:s8], [sflag:s22] =	dma.local [hbm:s6], s20  }
0x9f: {  	_ =	swait.ge [sflag:s22], s20  }
0xa0: {  	s5 =	ssub.s32 $0x0, s20;
	[sflag:s22] =	ssyncset.done $0x0  }
0xa1: {  	[sflag:s22] =	ssyncadd.s32 s5;
	_ =	sdelay $0x1  }
0xa2: {  	s23 =	simm.s32 $0x1B8B  }
0xa3: {  	_ =	swait.ge [sflag:s23], $0x1  }
0xa4: {  	[sflag:s23] =	ssyncset.done $0x0  }
0xa5: {  	s25 =	simm.s32 $0x1B8E;
	s24 =	sld [smem:$0x3FFE];
	[sflag:s23] =	ssyncadd.s32 $0xFFFFFFFF  }
0xa6: {  	s26 =	simm.s32 $execute0_lowered;
	[smem:$0x3FD2] =	sst s25  }
0xa7: {  	s6 =	sshll.u32 s26, $0x1;
	_ =	strace $0x80000046;
	[dreg:$0x1] =	wrdreg $0xFFFFFFFF  }
0xa8: {  	s28 =	simm.s32 $_size_execute0_lowered;
	s4 =	sadd.s32 s4, s6;
	[dreg:$0x0] =	wrdreg $0x0  }
0xa9: {  	s6 =	sshll.u32 s28, $0x1;
	[dreg:$0x2] =	wrdreg s4  }
0xaa: {  	[dreg:$0x3] =	wrdreg s6  }
0xab: {  	[dreg:$0x4] =	wrdreg $0xC0  }
0xac: {  	_ =	task [dreg:s8], $0x5FFFF  }
0xad: {  	[dreg:$0x1] =	wrdreg $0xFFFFFFFF  }
0xae: {  	[dreg:$0x0] =	wrdreg $0x60  }
0xaf: {  	[dreg:$0x2] =	wrdreg s2  }
0xb0: {  	[dreg:$0x3] =	wrdreg s18  }
0xb1: {  	[dreg:$0x4] =	wrdreg s24  }
0xb2: {  	[dreg:$0x5] =	wrdreg $0x9  }
0xb3: {  	_ =	task.clear_ibuf [dreg:s8], $0x6FFFF;
	_ =	strace $0x90000046  }
0xb4: {  	s29 =	simm.s32 $0x9;
	_ =	strace $0x80000048  }
0xb5: {  	_ =	swait.ge [sflag:s29], $0x1  }
0xb6: {  	[sflag:s29] =	ssyncadd.s32 $0xFFFFFFFF  }
0xb7: {  	_ =	strace $0x90000048  }
0xb8: {  	_ =	sfence  }
0xb9: {  	s30 =	sld [smem:$0x0];
	_ =	sdelay $0x2  }
0xba: {  	s31 =	sshll.u32 s1, $0xD;
	s1 =	sshrl.u32 s1, $0x2  }
0xbb: {  	s3 =	sand.u32 $0x4000, s31;
	s1 =	sadd.s32 s1, s30  }
0xbc: {  	s0 =	sor.u32 s3, s0;
	s1 =	sshll.u32 s1, $0x11  }
0xbd: {  	s0 =	sor.u32 s1, s0  }
0xbe: {  	s0 =	sadd.s32 $0x8F2B, s0  }
0xbf: {  	[sflag:s0] =	ssyncadd.remote.s32 $0x1  }
0xc0: {  	_ =	sfence.sel $0xFFFF  }
0xc1: {  	[dreg:$0x0] =	wrdreg $0xFFFFFFFF;
	(pc) =	sbr.abs _section_cstart, $3  }
0xc2: {  	[dreg:$0x1] =	wrdreg $0xFFFFFFFF  }
0xc3: {  	_ =	task.clear_ibuf [dreg:s8], $0x2FFFF;
	_ =	strace $0x9FFFFFFF  }
0xc4: {  	(tm) =	ssettm $0x7FFFFFFF  }
0xc5: {  	_ =	shalt  }
tec
execute0_lowered:
.L_overlay_start_1:
0x0: {  	(tag) =	ssettag $0x1  }
0x1: {  	s1 =	srdreg.scid;
	s0 =	stileid.u32  }
0x2: {  	s3 =	rddreg [dreg:$0x0];
	s1 =	sand.u32 $0x1, s1;
	s5 =	sshll.u32 s0, $0x1  }
0x3: {  	s4 =	rddreg [dreg:$0x1];
	s23 =	sor.u32 s1, s5  }
0x4: {  	s24 =	rddreg [dreg:$0x2];
	s2 =	simm.s32 $0x0;
	s5 =	sshll.u32 s23, $0x6  }
0x5: {  	[smem:$0x7FF] =	sst s2;
	s3 =	sadd.s32 s3, s5  }
0x6: {  	_ =	strace $0x80000047;
	[dreg:$0x4] =	wrdreg s3  }
0x7: {  	s3 =	simm.s32 $0x2;
	s6 =	rddreg [dreg:$0x4]  }
0x8: {  	[tilespmem:s2], [sflag:$0x2] =	stream.linear.gather [hbm4b:s6+s2], $0x200, $0x38;
	[tilespmem:$0x4400] =	vst v63  }
0x9: {  	_ =	swait.ge [sflag:s3], $0x200  }
0xa: {  	[sflag:s3] =	ssyncset.done $0x0  }
0xb: {  	s4 =	sadd.s32 s4, s5;
	s5 =	simm.s32 $0x200;
	[sflag:s3] =	ssyncadd.s32 $0xFFFFFE00  }
0xc: {  	[tilespmem:s5], [sflag:$0x2] =	stream.linear.gather [hbm4b:s4+s2], $0x200, $0x38;
	[tilespmem:$0x4400] =	vst v63  }
0xd: {  	_ =	swait.ge [sflag:s3], $0x200  }
0xe: {  	s7 =	simm.s32 $0x80;
	[sflag:s3] =	ssyncset.done $0x0  }
0xf: {  	s8 =	simm.s32 $0x400;
	s6 =	sadd.s32 $0x1B8A00, s24;
	[sflag:s3] =	ssyncadd.s32 $0xFFFFFE00  }
0x10: {  	[tilespmem:s8], [sflag:$0x1] =	stream.indirect.gather [hbm4b:s6+s7], $0x10, s2, s7, $0xb8;
	[tilespmem:$0x4400] =	vst v63  }
0x11: {  	s10 =	simm.s32 $0x2400;
	s9 =	sadd.s32 $0x187C00, s24  }
0x12: {  	[tilespmem:s10], [sflag:$0x1] =	stream.indirect.gather [hbm4b:s9+s7], $0x10, s5, s7, $0xb8;
	[tilespmem:$0x4400] =	vst v63  }
0x13: {  	s11 =	simm.s32 $0xC00  }
0x14: {  	[tilespmem:s11], [sflag:$0x1] =	stream.indirect.gather [hbm4b:s6+s7], $0x10, s7, s7, $0xb8;
	[tilespmem:$0x4400] =	vst v63  }
0x15: {  	s12 =	simm.s32 $0x280;
	s13 =	simm.s32 $0x2C00  }
0x16: {  	[tilespmem:s13], [sflag:$0x1] =	stream.indirect.gather [hbm4b:s9+s7], $0x10, s12, s7, $0xb8;
	[tilespmem:$0x4400] =	vst v63  }
0x17: {  	s14 =	simm.s32 $0x100;
	s15 =	simm.s32 $0x1400  }
0x18: {  	[tilespmem:s15], [sflag:$0x1] =	stream.indirect.gather [hbm4b:s6+s7], $0x10, s14, s7, $0xb8;
	[tilespmem:$0x4400] =	vst v63  }
0x19: {  	s16 =	simm.s32 $0x300;
	s17 =	simm.s32 $0x3400  }
0x1a: {  	[tilespmem:s17], [sflag:$0x1] =	stream.indirect.gather [hbm4b:s9+s7], $0x10, s16, s7, $0xb8;
	[tilespmem:$0x4400] =	vst v63  }
0x1b: {  	s18 =	simm.s32 $0x180;
	s19 =	simm.s32 $0x1C00  }
0x1c: {  	[tilespmem:s19], [sflag:$0x1] =	stream.indirect.gather [hbm4b:s6+s7], $0x10, s18, s7, $0xb8;
	[tilespmem:$0x4400] =	vst v63  }
0x1d: {  	s20 =	simm.s32 $0x380;
	s21 =	simm.s32 $0x3C00;
	s22 =	simm.s32 $0x1  }
0x1e: {  	[tilespmem:s21], [sflag:$0x1] =	stream.indirect.gather [hbm4b:s9+s7], $0x10, s20, s7, $0xb8;
	[tilespmem:$0x4400] =	vst v63  }
0x1f: {  	_ =	swait.ge [sflag:s22], $0x800  }
0x20: {  	[sflag:s22] =	ssyncset.done $0x0  }
0x21: {  	[sflag:s22] =	ssyncadd.s32 $0xFFFFF800  }
0x22: {  	_ =	swait.ge [sflag:s22], $0x800  }
0x23: {  	[sflag:s22] =	ssyncset.done $0x0  }
0x24: {  	[sflag:s22] =	ssyncadd.s32 $0xFFFFF800  }
0x25: {  	_ =	swait.ge [sflag:s22], $0x800  }
0x26: {  	[sflag:s22] =	ssyncset.done $0x0  }
0x27: {  	[sflag:s22] =	ssyncadd.s32 $0xFFFFF800  }
0x28: {  	_ =	swait.ge [sflag:s22], $0x800  }
0x29: {  	[sflag:s22] =	ssyncset.done $0x0  }
0x2a: {  	[sflag:s22] =	ssyncadd.s32 $0xFFFFF800  }
0x2b: {  	_ =	swait.ge [sflag:s22], $0x800  }
0x2c: {  	[sflag:s22] =	ssyncset.done $0x0  }
0x2d: {  	[sflag:s22] =	ssyncadd.s32 $0xFFFFF800  }
0x2e: {  	_ =	swait.ge [sflag:s22], $0x800  }
0x2f: {  	[sflag:s22] =	ssyncset.done $0x0  }
0x30: {  	[sflag:s22] =	ssyncadd.s32 $0xFFFFF800  }
0x31: {  	_ =	swait.ge [sflag:s22], $0x800  }
0x32: {  	[sflag:s22] =	ssyncset.done $0x0  }
0x33: {  	[sflag:s22] =	ssyncadd.s32 $0xFFFFF800  }
0x34: {  	_ =	swait.ge [sflag:s22], $0x800  }
0x35: {  	s31 =	sadd.s32 $0x9200, s24;
	s30 =	sshll.u32 s23, $0xA;
	[sflag:s22] =	ssyncset.done $0x0  }
0x36: {  	s23 =	sadd.s32 s31, s30;
	[sflag:s22] =	ssyncadd.s32 $0xFFFFF800  }
0x37: {  	[hbm4b:s23+s2] =	stream.linear.scatter [tilespmem:s8], [sflag:$0x2], $0x800, $0x38;
	[tilespmem:$0x4400] =	vst v63  }
0x38: {  	_ =	swait.ge [sflag:s3], $0x800  }
0x39: {  	s0 =	smov.u32 s1;
	s1 =	sadd.s32 $0x1200, s24;
	[sflag:s3] =	ssyncset.done $0x0  }
0x3a: {  	s24 =	sadd.s32 s1, s30;
	[sflag:s3] =	ssyncadd.s32 $0xFFFFF800  }
0x3b: {  	[hbm4b:s24+s2] =	stream.linear.scatter [tilespmem:s10], [sflag:$0x2], $0x800, $0x38;
	[tilespmem:$0x4400] =	vst v63  }
0x3c: {  	_ =	swait.ge [sflag:s3], $0x800  }
0x3d: {  	s26 =	sor.u32 $0x100, s30;
	[sflag:s3] =	ssyncset.done $0x0  }
0x3e: {  	s25 =	sadd.s32 s31, s26;
	[sflag:s3] =	ssyncadd.s32 $0xFFFFF800  }
0x3f: {  	[hbm4b:s25+s2] =	stream.linear.scatter [tilespmem:s11], [sflag:$0x2], $0x800, $0x38;
	[tilespmem:$0x4400] =	vst v63  }
0x40: {  	_ =	swait.ge [sflag:s3], $0x800  }
0x41: {  	[sflag:s3] =	ssyncset.done $0x0  }
0x42: {  	s26 =	sadd.s32 s1, s26;
	[dreg:$0x5] =	wrdreg s1;
	[sflag:s3] =	ssyncadd.s32 $0xFFFFF800  }
0x43: {  	[hbm4b:s26+s2] =	stream.linear.scatter [tilespmem:s13], [sflag:$0x2], $0x800, $0x38;
	[tilespmem:$0x4400] =	vst v63  }
0x44: {  	_ =	swait.ge [sflag:s3], $0x800  }
0x45: {  	s29 =	sor.u32 $0x200, s30;
	[sflag:s3] =	ssyncset.done $0x0  }
0x46: {  	s28 =	sadd.s32 s31, s29;
	[sflag:s3] =	ssyncadd.s32 $0xFFFFF800  }
0x47: {  	[hbm4b:s28+s2] =	stream.linear.scatter [tilespmem:s15], [sflag:$0x2], $0x800, $0x38;
	[tilespmem:$0x4400] =	vst v63  }
0x48: {  	s0 =	ssub.s32 $0x2, s0;
	_ =	swait.ge [sflag:s3], $0x800  }
0x49: {  	s29 =	sadd.s32 s1, s29;
	s1 =	sor.u32 $0x300, s30;
	[sflag:s3] =	ssyncset.done $0x0  }
0x4a: {  	s30 =	sadd.s32 s31, s1;
	s31 =	sshrl.u32 s0, $0x1;
	[sflag:s3] =	ssyncadd.s32 $0xFFFFF800  }
0x4b: {  	[hbm4b:s29+s2] =	stream.linear.scatter [tilespmem:s17], [sflag:$0x2], $0x800, $0x38;
	[tilespmem:$0x4400] =	vst v63  }
0x4c: {  	s0 =	ssub.s32 s0, s31;
	_ =	swait.ge [sflag:s3], $0x800  }
0x4d: {  	s0 =	smax.u32 s0, $0x1;
	[sflag:s3] =	ssyncset.done $0x0  }
0x4e: {  	p0 =	sne.s32 s0, $0x1;
	[sflag:s3] =	ssyncadd.s32 $0xFFFFF800  }
0x4f: {  	[hbm4b:s30+s2] =	stream.linear.scatter [tilespmem:s19], [sflag:$0x2], $0x800, $0x38;
	[tilespmem:$0x4400] =	vst v63  }
.Ltmp0:
0x50: {  	_ =	swait.ge [sflag:s3], $0x800;
	(pc) =	sbr.rel @!p0 .LBB2_2-.Ltmp0, $4  }
0x51: {  	[sflag:s3] =	ssyncset.done $0x0;
	s31 =	rddreg [dreg:$0x5]  }
0x52: {  	s31 =	sadd.s32 s31, s1;
	[sflag:s3] =	ssyncadd.s32 $0xFFFFF800  }
0x53: {  	[hbm4b:s31+s2] =	stream.linear.scatter [tilespmem:s21], [sflag:$0x2], $0x800, $0x38;
	[tilespmem:$0x4400] =	vst v63  }
0x54: {  	s1 =	sadd.s32 $0xFFFFFFFF, s0;
	_ =	swait.ge [sflag:s3], $0x800  }
.LBB2_1:
0x55: {  	[sflag:s3] =	ssyncset.done $0x0  }
0x56: {  	s0 =	rddreg [dreg:$0x4];
	[sflag:s3] =	ssyncadd.s32 $0xFFFFF800  }
0x57: {  	[tilespmem:s2], [sflag:$0x2] =	stream.linear.gather [hbm4b:s0+s2], $0x200, $0x38;
	[tilespmem:$0x4400] =	vst v63  }
0x58: {  	_ =	swait.ge [sflag:s3], $0x200  }
0x59: {  	[sflag:s3] =	ssyncset.done $0x0  }
0x5a: {  	[sflag:s3] =	ssyncadd.s32 $0xFFFFFE00  }
0x5b: {  	[tilespmem:s5], [sflag:$0x2] =	stream.linear.gather [hbm4b:s4+s2], $0x200, $0x38;
	[tilespmem:$0x4400] =	vst v63  }
0x5c: {  	_ =	swait.ge [sflag:s3], $0x200  }
0x5d: {  	[sflag:s3] =	ssyncset.done $0x0  }
0x5e: {  	[sflag:s3] =	ssyncadd.s32 $0xFFFFFE00  }
0x5f: {  	[tilespmem:s8], [sflag:$0x1] =	stream.indirect.gather [hbm4b:s6+s7], $0x10, s2, s7, $0xb8;
	[tilespmem:$0x4400] =	vst v63  }
0x60: {  	_ = 	snop  }
0x61: {  	[tilespmem:s10], [sflag:$0x1] =	stream.indirect.gather [hbm4b:s9+s7], $0x10, s5, s7, $0xb8;
	[tilespmem:$0x4400] =	vst v63  }
0x62: {  	_ = 	snop  }
0x63: {  	[tilespmem:s11], [sflag:$0x1] =	stream.indirect.gather [hbm4b:s6+s7], $0x10, s7, s7, $0xb8;
	[tilespmem:$0x4400] =	vst v63  }
0x64: {  	_ = 	snop  }
0x65: {  	[tilespmem:s13], [sflag:$0x1] =	stream.indirect.gather [hbm4b:s9+s7], $0x10, s12, s7, $0xb8;
	[tilespmem:$0x4400] =	vst v63  }
0x66: {  	_ = 	snop  }
0x67: {  	[tilespmem:s15], [sflag:$0x1] =	stream.indirect.gather [hbm4b:s6+s7], $0x10, s14, s7, $0xb8;
	[tilespmem:$0x4400] =	vst v63  }
0x68: {  	_ = 	snop  }
0x69: {  	[tilespmem:s17], [sflag:$0x1] =	stream.indirect.gather [hbm4b:s9+s7], $0x10, s16, s7, $0xb8;
	[tilespmem:$0x4400] =	vst v63  }
0x6a: {  	_ = 	snop  }
0x6b: {  	[tilespmem:s19], [sflag:$0x1] =	stream.indirect.gather [hbm4b:s6+s7], $0x10, s18, s7, $0xb8;
	[tilespmem:$0x4400] =	vst v63  }
0x6c: {  	_ = 	snop  }
0x6d: {  	[tilespmem:s21], [sflag:$0x1] =	stream.indirect.gather [hbm4b:s9+s7], $0x10, s20, s7, $0xb8;
	[tilespmem:$0x4400] =	vst v63  }
0x6e: {  	_ =	swait.ge [sflag:s22], $0x800  }
0x6f: {  	[sflag:s22] =	ssyncset.done $0x0  }
0x70: {  	[sflag:s22] =	ssyncadd.s32 $0xFFFFF800  }
0x71: {  	_ =	swait.ge [sflag:s22], $0x800  }
0x72: {  	[sflag:s22] =	ssyncset.done $0x0  }
0x73: {  	[sflag:s22] =	ssyncadd.s32 $0xFFFFF800  }
0x74: {  	_ =	swait.ge [sflag:s22], $0x800  }
0x75: {  	[sflag:s22] =	ssyncset.done $0x0  }
0x76: {  	[sflag:s22] =	ssyncadd.s32 $0xFFFFF800  }
0x77: {  	_ =	swait.ge [sflag:s22], $0x800  }
0x78: {  	[sflag:s22] =	ssyncset.done $0x0  }
0x79: {  	[sflag:s22] =	ssyncadd.s32 $0xFFFFF800  }
0x7a: {  	_ =	swait.ge [sflag:s22], $0x800  }
0x7b: {  	[sflag:s22] =	ssyncset.done $0x0  }
0x7c: {  	[sflag:s22] =	ssyncadd.s32 $0xFFFFF800  }
0x7d: {  	_ =	swait.ge [sflag:s22], $0x800  }
0x7e: {  	[sflag:s22] =	ssyncset.done $0x0  }
0x7f: {  	[sflag:s22] =	ssyncadd.s32 $0xFFFFF800  }
0x80: {  	_ =	swait.ge [sflag:s22], $0x800  }
0x81: {  	[sflag:s22] =	ssyncset.done $0x0  }
0x82: {  	[sflag:s22] =	ssyncadd.s32 $0xFFFFF800  }
0x83: {  	_ =	swait.ge [sflag:s22], $0x800  }
0x84: {  	[sflag:s22] =	ssyncset.done $0x0  }
0x85: {  	[sflag:s22] =	ssyncadd.s32 $0xFFFFF800  }
0x86: {  	[hbm4b:s23+s2] =	stream.linear.scatter [tilespmem:s8], [sflag:$0x2], $0x800, $0x38;
	[tilespmem:$0x4400] =	vst v63  }
0x87: {  	_ =	swait.ge [sflag:s3], $0x800  }
0x88: {  	[sflag:s3] =	ssyncset.done $0x0  }
0x89: {  	[sflag:s3] =	ssyncadd.s32 $0xFFFFF800  }
0x8a: {  	[hbm4b:s24+s2] =	stream.linear.scatter [tilespmem:s10], [sflag:$0x2], $0x800, $0x38;
	[tilespmem:$0x4400] =	vst v63  }
0x8b: {  	_ =	swait.ge [sflag:s3], $0x800  }
0x8c: {  	[sflag:s3] =	ssyncset.done $0x0  }
0x8d: {  	[sflag:s3] =	ssyncadd.s32 $0xFFFFF800  }
0x8e: {  	[hbm4b:s25+s2] =	stream.linear.scatter [tilespmem:s11], [sflag:$0x2], $0x800, $0x38;
	[tilespmem:$0x4400] =	vst v63  }
0x8f: {  	_ =	swait.ge [sflag:s3], $0x800  }
0x90: {  	[sflag:s3] =	ssyncset.done $0x0  }
0x91: {  	[sflag:s3] =	ssyncadd.s32 $0xFFFFF800  }
0x92: {  	[hbm4b:s26+s2] =	stream.linear.scatter [tilespmem:s13], [sflag:$0x2], $0x800, $0x38;
	[tilespmem:$0x4400] =	vst v63  }
0x93: {  	_ =	swait.ge [sflag:s3], $0x800  }
0x94: {  	[sflag:s3] =	ssyncset.done $0x0  }
0x95: {  	[sflag:s3] =	ssyncadd.s32 $0xFFFFF800  }
0x96: {  	[hbm4b:s28+s2] =	stream.linear.scatter [tilespmem:s15], [sflag:$0x2], $0x800, $0x38;
	[tilespmem:$0x4400] =	vst v63  }
0x97: {  	_ =	swait.ge [sflag:s3], $0x800  }
0x98: {  	[sflag:s3] =	ssyncset.done $0x0  }
0x99: {  	[sflag:s3] =	ssyncadd.s32 $0xFFFFF800  }
0x9a: {  	[hbm4b:s29+s2] =	stream.linear.scatter [tilespmem:s17], [sflag:$0x2], $0x800, $0x38;
	[tilespmem:$0x4400] =	vst v63  }
0x9b: {  	_ =	swait.ge [sflag:s3], $0x800  }
0x9c: {  	[sflag:s3] =	ssyncset.done $0x0  }
0x9d: {  	p0 =	sne.s32 s1, $0x1;
	[sflag:s3] =	ssyncadd.s32 $0xFFFFF800  }
0x9e: {  	[hbm4b:s30+s2] =	stream.linear.scatter [tilespmem:s19], [sflag:$0x2], $0x800, $0x38;
	[tilespmem:$0x4400] =	vst v63  }
.Ltmp1:
0x9f: {  	_ =	swait.ge [sflag:s3], $0x800;
	(pc) =	sbr.rel @p0 .LBB2_1-.Ltmp1, $4  }
0xa0: {  	[sflag:s3] =	ssyncset.done $0x0  }
0xa1: {  	[sflag:s3] =	ssyncadd.s32 $0xFFFFF800  }
0xa2: {  	[hbm4b:s31+s2] =	stream.linear.scatter [tilespmem:s21], [sflag:$0x2], $0x800, $0x38;
	[tilespmem:$0x4400] =	vst v63  }
0xa3: {  	s1 =	sadd.s32 $0xFFFFFFFF, s1;
	_ =	swait.ge [sflag:s3], $0x800  }
.LBB2_2:
0xa4: {  	[sflag:s3] =	ssyncset.done $0x0  }
0xa5: {  	[sflag:s3] =	ssyncadd.s32 $0xFFFFF800  }
0xa6: {  	_ =	sfence.sel $0x180000  }
0xa7: {  	[bflag:$0x0] =	sbarrier.arrive $0xFFFF  }
0xa8: {  	_ =	strace $0x90000047  }
0xa9: {  	s0 =	stileid.u32;
	[bflag:$0x2] =	sbarrier.arrive $0xFFFF  }
0xaa: {  	p0 =	sne.s32 s0, $0x0;
	s0 =	rddreg [dreg:$0x3]  }
0xab: {  	s0 =	sadd.s32 @!p0 $0x100000, s0  }
0xac: {  	[sflag:s0] =	ssyncadd.tile.s32 @!p0 $0x1;
	_ =	shalt  }
.Lfunc_end2:
_tile_overlayer_lowered:
.L_overlay_start_2:
0xad: {  	(tag) =	ssettag $0x2  }
0xae: {  	s0 =	rddreg [dreg:$0x0];
	s2 =	stileid.u32  }
0xaf: {  	s1 =	rddreg [dreg:$0x1];
	p0 =	sne.s32 s2, $0x0  }
0xb0: {  	s3 =	rddreg [dreg:$0x2];
	[bflag:$0x3] =	sbarrier.arrive $0xFFFF;
	s2 =	simm.s32 @!p0 $0x1C02  }
0xb1: {  	[timem:s3], [sflag:s2] =	dma.local @!p0 [hbm:s0], s1  }
0xb2: {  	s0 =	simm.s32 @!p0 $0x2  }
0xb3: {  	_ =	swait.ge @!p0 [sflag:s0], s1  }
0xb4: {  	s1 =	ssub.s32 @!p0 $0x0, s1;
	[sflag:s0] =	ssyncset.done @!p0 $0x0  }
0xb5: {  	[sflag:s0] =	ssyncadd.s32 @!p0 s1  }
0xb6: {  	[bflag:$0x3] =	sbarrier.arrive $0xFFFF  }
0xb7: {  	_ =	shalt  }

</sc_bundles>
